<compile_context>
chip_gen: v7x
topology: tpu7x:2x2x1
jax: 0.10.2.dev20260603
libtpu: 0.0.44.dev20260713+nightly
codegen_flags: <defaults>
</compile_context>

<pallas_src>
import functools

import jax
import jax.numpy as jnp
from jax import lax
from jax.experimental import pallas as pl
from jax.experimental.pallas import tpu as pltpu
from jax.experimental.pallas import tpu_sc as plsc

N_W = 10000
N_P = 10000
E = 320000
IN_DIM = 128
OUT_DIM = 128
H = 8
DH = OUT_DIM // H
FEAT = 16
FFN = 512

BM = 1000
BE = 12800


def _zs_body(w_ref, fcw_ref, a1_ref, zs_ref, smax_ref):
    z = jnp.dot(w_ref[...], fcw_ref[...], preferred_element_type=jnp.float32)
    s = jnp.dot(z, a1_ref[...], preferred_element_type=jnp.float32)
    zs_ref[:, :IN_DIM] = z
    zs_ref[:, IN_DIM:IN_DIM + 16] = s
    zs_ref[:, IN_DIM + 16:] = jnp.zeros((BM, 112), jnp.float32)
    blk = jnp.broadcast_to(jnp.max(s, axis=0, keepdims=True), (8, 16))

    @pl.when(pl.program_id(0) == 0)
    def _():
        smax_ref[...] = blk

    @pl.when(pl.program_id(0) != 0)
    def _():
        smax_ref[...] = jnp.maximum(smax_ref[...], blk)


def _cfeat_body(ef_ref, wc_ref, bc_ref, ct_ref, cmax_ref):
    ct = jnp.dot(ef_ref[...], wc_ref[...],
                 preferred_element_type=jnp.float32)
    ct = ct + bc_ref[...]
    ct_ref[...] = ct
    blk = jnp.broadcast_to(jnp.max(ct, axis=0, keepdims=True), (8, 16))

    @pl.when(pl.program_id(0) == 0)
    def _():
        cmax_ref[...] = blk

    @pl.when(pl.program_id(0) != 0)
    def _():
        cmax_ref[...] = jnp.maximum(cmax_ref[...], blk)


def _ffn_body(num_ref, den_ref, p_ref, exp_ref, w1_ref, b1_ref, w2_ref,
              b2_ref, g_ref, b_ref, out_ref):
    den_exp = jnp.dot(den_ref[0] + den_ref[1], exp_ref[...],
                      preferred_element_type=jnp.float32)
    g = (num_ref[0] + num_ref[1]) / (den_exp + 1e-20)
    g = jnp.where(g > 0, g, jnp.exp(jnp.minimum(g, 0.0)) - 1.0)
    h = g + p_ref[...]
    mu = jnp.mean(h, axis=-1, keepdims=True)
    var = jnp.mean(jnp.square(h - mu), axis=-1, keepdims=True)
    xln = (h - mu) / jnp.sqrt(var + 1e-5) * g_ref[...] + b_ref[...]
    inter = jnp.dot(xln, w1_ref[...], preferred_element_type=jnp.float32)
    inter = jnp.maximum(inter + b1_ref[...], 0.0)
    out = jnp.dot(inter, w2_ref[...], preferred_element_type=jnp.float32)
    out_ref[...] = out + b2_ref[...] + h


def _dense_pre(w, edge_feat, fcW, attnW, featW, featB):
    a1 = attnW[:, :DH]
    a2 = attnW[:, DH:]
    fcw_cat = jnp.transpose(fcW, (1, 0, 2)).reshape(IN_DIM, H * DH)
    a1blk = jnp.zeros((H * DH, 16), jnp.float32)
    a1blk = a1blk.at[jnp.arange(H * DH), jnp.arange(H * DH) // DH].set(
        a1.reshape(-1))
    wc = jnp.einsum("hfd,hd->fh", featW, a2)
    bc = jnp.sum(featB * a2, axis=1)

    nb = N_W // BM
    zs, smax = pl.pallas_call(
        _zs_body,
        grid=(nb,),
        in_specs=[
            pl.BlockSpec((BM, IN_DIM), lambda i: (i, 0)),
            pl.BlockSpec((IN_DIM, H * DH), lambda i: (0, 0)),
            pl.BlockSpec((H * DH, 16), lambda i: (0, 0)),
        ],
        out_specs=[
            pl.BlockSpec((BM, 256), lambda i: (i, 0)),
            pl.BlockSpec((8, 16), lambda i: (0, 0)),
        ],
        out_shape=[
            jax.ShapeDtypeStruct((N_W, 256), jnp.float32),
            jax.ShapeDtypeStruct((8, 16), jnp.float32),
        ],
    )(w, fcw_cat, a1blk)

    ne = E // BE
    wc16 = jnp.concatenate([wc, jnp.zeros((FEAT, 8), jnp.float32)], axis=1)
    bc16 = jnp.concatenate([bc, jnp.zeros((8,), jnp.float32)])
    ct, cmax = pl.pallas_call(
        _cfeat_body,
        grid=(ne,),
        in_specs=[
            pl.BlockSpec((BE, FEAT), lambda i: (i, 0)),
            pl.BlockSpec((FEAT, 16), lambda i: (0, 0)),
            pl.BlockSpec((1, 16), lambda i: (0, 0)),
        ],
        out_specs=[
            pl.BlockSpec((BE, 16), lambda i: (i, 0)),
            pl.BlockSpec((8, 16), lambda i: (0, 0)),
        ],
        out_shape=[
            jax.ShapeDtypeStruct((E, 16), jnp.float32),
            jax.ShapeDtypeStruct((8, 16), jnp.float32),
        ],
    )(edge_feat, wc16, bc16.reshape(1, 16))

    s_max = smax[0, :H]
    c_max = cmax[0, :H]
    m = s_max + c_max
    m = jnp.where(m >= 0, m, 0.01 * m)
    m16 = jnp.concatenate([m, jnp.full((8,), 1e9, jnp.float32)])
    return zs, ct, m16


def _dense_post(num2, den2, p, w1W, w1b, w2W, w2b, ln_g, ln_b):
    expand = jnp.zeros((16, OUT_DIM), jnp.float32)
    expand = expand.at[jnp.arange(OUT_DIM) // DH, jnp.arange(OUT_DIM)].set(1.0)
    nb = N_P // BM
    return pl.pallas_call(
        _ffn_body,
        grid=(nb,),
        in_specs=[
            pl.BlockSpec((2, BM, OUT_DIM), lambda i: (0, i, 0)),
            pl.BlockSpec((2, BM, 16), lambda i: (0, i, 0)),
            pl.BlockSpec((BM, IN_DIM), lambda i: (i, 0)),
            pl.BlockSpec((16, OUT_DIM), lambda i: (0, 0)),
            pl.BlockSpec((OUT_DIM, FFN), lambda i: (0, 0)),
            pl.BlockSpec((1, FFN), lambda i: (0, 0)),
            pl.BlockSpec((FFN, OUT_DIM), lambda i: (0, 0)),
            pl.BlockSpec((1, OUT_DIM), lambda i: (0, 0)),
            pl.BlockSpec((1, OUT_DIM), lambda i: (0, 0)),
            pl.BlockSpec((1, OUT_DIM), lambda i: (0, 0)),
        ],
        out_specs=pl.BlockSpec((BM, OUT_DIM), lambda i: (i, 0)),
        out_shape=jax.ShapeDtypeStruct((N_P, OUT_DIM), jnp.float32),
    )(num2, den2, p, expand, w1W, w1b.reshape(1, FFN), w2W,
      w2b.reshape(1, OUT_DIM), ln_g.reshape(1, OUT_DIM),
      ln_b.reshape(1, OUT_DIM))


_K = 32
_NCHUNK = E // _K
_NTILE = 32
_MAXI = (_NCHUNK + _NTILE - 1) // _NTILE


def _vgather(vec, idx):
    dnums = lax.GatherDimensionNumbers(
        offset_dims=(), collapsed_slice_dims=(0,), start_index_map=(0,))
    return lax.gather(vec, idx[:, None], dnums, (1,),
                      mode=lax.GatherScatterMode.PROMISE_IN_BOUNDS)


def _edge_sc(zs, ct8, m128, src, dst):
    mesh = plsc.VectorSubcoreMesh(core_axis_name="c", subcore_axis_name="s")

    @functools.partial(
        pl.kernel,
        out_type=[jax.ShapeDtypeStruct((2 * N_P, 128), jnp.float32),
                  jax.ShapeDtypeStruct((2 * 1280, 128), jnp.float32)],
        mesh=mesh,
        scratch_types=[
            pltpu.VMEM((_K,), jnp.int32),
            pltpu.VMEM((_K,), jnp.int32),
            pltpu.VMEM((_K,), jnp.int32),
            pltpu.VMEM((_K + 16,), jnp.int32),
            pltpu.VMEM((_K, 256), jnp.float32),
            pltpu.VMEM((_K, 16), jnp.float32),
            pltpu.VMEM((_K, 128), jnp.float32),
            pltpu.VMEM((_K, 128), jnp.float32),
            pltpu.VMEM((128,), jnp.float32),
            pltpu.VMEM_SHARED((N_P, 128), jnp.float32),
            pltpu.VMEM_SHARED((1256, 128), jnp.float32),
            pltpu.SemaphoreType.DMA,
        ],
    )
    def k(zs_hbm, ct_hbm, m_hbm, src_hbm, dst_hbm, num_hbm, den_hbm,
          srcb, dstb, d8b, offb, rows, ctb, scl, dbuf, mv, num_sh, den_sh,
          sem):
        cid = lax.axis_index("c")
        sid = lax.axis_index("s")
        wid = cid * 16 + sid
        iota16 = lax.broadcasted_iota(jnp.int32, (16,), 0)
        zero16 = jnp.zeros((16,), jnp.float32)

        def _z_body(i, _):
            for j in range(8):
                scl[i, pl.ds(j * 16, 16)] = zero16
                dbuf[i, pl.ds(j * 16, 16)] = zero16
            return 0
        lax.fori_loop(0, _K, _z_body, 0, unroll=False)
        r0 = sid * 640
        d0 = sid * 80
        ro = cid * N_P + r0
        do = cid * 1280 + d0

        @pl.when(sid < 15)
        def _():
            for b in range(20):
                pltpu.sync_copy(scl, num_sh.at[pl.ds(r0 + b * _K, _K)])
            for b in range(2):
                pltpu.sync_copy(dbuf, den_sh.at[pl.ds(d0 + b * _K, _K)])
            pltpu.sync_copy(dbuf.at[pl.ds(0, 16)],
                            den_sh.at[pl.ds(d0 + 64, 16)])

        @pl.when(sid == 15)
        def _():
            for b in range(12):
                pltpu.sync_copy(scl, num_sh.at[pl.ds(r0 + b * _K, _K)])
            pltpu.sync_copy(scl.at[pl.ds(0, 16)],
                            num_sh.at[pl.ds(r0 + 384, 16)])
            pltpu.sync_copy(dbuf, den_sh.at[pl.ds(d0, _K)])
            pltpu.sync_copy(dbuf.at[pl.ds(0, 18)],
                            den_sh.at[pl.ds(d0 + 32, 18)])
        pltpu.sync_copy(m_hbm, mv)
        plsc.subcore_barrier()

        def _chunk(i, _):
            chunk = wid + i * _NTILE

            @pl.when(chunk < _NCHUNK)
            def _():
                cb = chunk * _K
                pltpu.sync_copy(src_hbm.at[pl.ds(cb, _K)], srcb)
                pltpu.sync_copy(dst_hbm.at[pl.ds(cb, _K)], dstb)
                pltpu.sync_copy(ct_hbm.at[pl.ds(cb, _K)], ctb)
                pltpu.async_copy(zs_hbm.at[srcb], rows, sem).wait()
                mvreg = mv[pl.ds(0, 16)]
                for g in range(_K // 16):
                    dv = dstb[pl.ds(g * 16, 16)]
                    d8b[pl.ds(g * 16, 16)] = lax.shift_right_logical(dv, 3)
                    offb[pl.ds(g * 16, 16)] = (dv & 7) * 16

                def _edge(kk, _):
                    srow = rows[kk, pl.ds(IN_DIM, 16)]
                    crow = ctb[kk, :]
                    x = srow + crow
                    e16 = jnp.maximum(x, 0.01 * x) - mvreg
                    exrow = jnp.exp(e16)
                    off = offb[pl.ds(kk, 16)][0]
                    dbuf[kk, pl.ds(off, 16)] = exrow
                    for h in range(8):
                        gkh = _vgather(exrow, iota16 * 0 + h)
                        zblk = rows[kk, pl.ds(h * 16, 16)]
                        scl[kk, pl.ds(h * 16, 16)] = zblk * gkh
                    return 0
                lax.fori_loop(0, _K, _edge, 0, unroll=False)
                pltpu.sync_copy(scl, num_sh.at[dstb], add=True)
                pltpu.sync_copy(dbuf, den_sh.at[d8b], add=True)

                def _wipe(kk, _):
                    off = offb[pl.ds(kk, 16)][0]
                    dbuf[kk, pl.ds(off, 16)] = zero16
                    return 0
                lax.fori_loop(0, _K, _wipe, 0, unroll=False)
            return 0
        lax.fori_loop(0, _MAXI, _chunk, 0, unroll=False)
        plsc.subcore_barrier()

        @pl.when(sid < 15)
        def _():
            pltpu.sync_copy(num_sh.at[pl.ds(r0, 640)],
                            num_hbm.at[pl.ds(ro, 640)])
            pltpu.sync_copy(den_sh.at[pl.ds(d0, 80)],
                            den_hbm.at[pl.ds(do, 80)])

        @pl.when(sid == 15)
        def _():
            pltpu.sync_copy(num_sh.at[pl.ds(r0, 400)],
                            num_hbm.at[pl.ds(ro, 400)])
            pltpu.sync_copy(den_sh.at[pl.ds(d0, 56)],
                            den_hbm.at[pl.ds(do, 56)])

    return k(zs, ct8, m128, src, dst)


def kernel(w, p, edge_feat, fcW, attnW, featW, featB, w1W, w1b, w2W, w2b,
           ln_g, ln_b, edge_index):
    src = edge_index[0].astype(jnp.int32)
    dst = edge_index[1].astype(jnp.int32)
    zs, ct8, m16 = _dense_pre(w, edge_feat, fcW, attnW, featW, featB)
    m128 = jnp.concatenate([m16, jnp.full((112,), 1e9, jnp.float32)])
    num, den = _edge_sc(zs, ct8, m128, src, dst)
    num2 = num.reshape(2, N_P, 128)
    den2 = den.reshape(2, 1280, 128)[:, :1250].reshape(2, N_P, 16)
    return _dense_post(num2, den2, p, w1W, w1b, w2W, w2b, ln_g, ln_b)

# --- scband reference (transcript-rebuilt; emitter-appended) ---
"""Pipeline reference for scband-wpwgat-33251636805761 (READ-ONLY COPY).

The authoritative reference and input builder live on the scoring server;
editing this copy changes nothing except your own understanding.
"""

import jax, jax.numpy as jnp
import numpy as np

N_W = 10000
N_P = 10000
E = 320000
IN_DIM = 128
OUT_DIM = 128
H = 8
DH = OUT_DIM // H
FEAT = 16
FFN = 512


def _layer_norm(x, g, b, eps=1e-5):
    mu = jnp.mean(x, axis=-1, keepdims=True)
    var = jnp.var(x, axis=-1, keepdims=True)
    return (x - mu) / jnp.sqrt(var + eps) * g + b


def setup_inputs(seed: int = 0):
    key = jax.random.key(seed)
    ks = jax.random.split(key, 12)
    sc = 0.05
    return {
        "w": jax.random.normal(ks[0], (N_W, IN_DIM), dtype=jnp.float32),
        "p": jax.random.normal(ks[1], (N_P, IN_DIM), dtype=jnp.float32),
        "edge_feat": jax.random.normal(ks[2], (E, FEAT), dtype=jnp.float32),
        "fcW": jax.random.normal(ks[3], (H, IN_DIM, DH), dtype=jnp.float32) * sc,
        "attnW": jax.random.normal(ks[4], (H, 2 * DH), dtype=jnp.float32) * sc,
        "featW": jax.random.normal(ks[5], (H, FEAT, DH), dtype=jnp.float32) * sc,
        "featB": jnp.zeros((H, DH), dtype=jnp.float32),
        "w1W": jax.random.normal(ks[6], (OUT_DIM, FFN), dtype=jnp.float32) * sc,
        "w1b": jnp.zeros((FFN,), dtype=jnp.float32),
        "w2W": jax.random.normal(ks[7], (FFN, OUT_DIM), dtype=jnp.float32) * sc,
        "w2b": jnp.zeros((OUT_DIM,), dtype=jnp.float32),
        "ln_g": jnp.ones((OUT_DIM,), dtype=jnp.float32),
        "ln_b": jnp.zeros((OUT_DIM,), dtype=jnp.float32),
        "edge_index": jax.random.randint(ks[8], (2, E), 0, N_W, dtype=jnp.int32).astype(jnp.int64),
    }


def reference(w, p, edge_feat, fcW, attnW, featW, featB, w1W, w1b, w2W, w2b, ln_g, ln_b, edge_index):
    # layerType == 'W2P': origin, neighbor = (p, w)
    src = edge_index[0]
    dst = edge_index[1]

    def head(fcW_h, attnW_h, featW_h, featB_h):
        z = w @ fcW_h                      # [N_W, DH]
        z_src = jnp.take(z, src, axis=0)   # gather over edges [E, DH]
        dfeat = edge_feat @ featW_h + featB_h  # [E, DH]
        z2 = jnp.concatenate([z_src, dfeat], axis=1)  # [E, 2*DH]
        e = jax.nn.leaky_relu(z2 @ attnW_h, negative_slope=0.01)  # [E]
        e_max = jax.lax.stop_gradient(jax.ops.segment_max(e, dst, num_segments=N_P))
        e_max = jnp.where(jnp.isfinite(e_max), e_max, 0.0)
        ex = jnp.exp(e - e_max[dst])
        denom = jax.ops.segment_sum(ex, dst, num_segments=N_P)
        alpha = ex / (denom[dst] + 1e-9)   # edge softmax over incoming edges
        return jax.ops.segment_sum(alpha[:, None] * z_src, dst, num_segments=N_P)

    heads = jax.vmap(head)(fcW, attnW, featW, featB)   # [H, N_P, DH]
    h = jnp.transpose(heads, (1, 0, 2)).reshape(N_P, H * DH)  # multi-head concat
    h = jax.nn.elu(h)
    h = h + p                              # residual with origin
    # PositionwiseFeedForward (pre-LN, 1x1 conv == linear), dropout = eval/no-op
    xln = _layer_norm(h, ln_g, ln_b)
    inter = jax.nn.relu(xln @ w1W + w1b)
    out = inter @ w2W + w2b
    return out + h

if __name__ == "__main__":
    import jax
    _d = setup_inputs()
    print(jax.jit(kernel)(*tuple(_d.values())))

</pallas_src>

<mosaic_0001>
#map = affine_map<(d0, d1) -> (0, 0)>
#map1 = affine_map<(d0, d1) -> (0)>
module attributes {stable_mosaic.version = 14 : i64} {
  func.func @k(%arg0: i32, %arg1: i32, %arg2: memref<10000x256xf32, #tpu.memory_space<hbm>>, %arg3: memref<320000x16xf32, #tpu.memory_space<hbm>>, %arg4: memref<128xf32, #tpu.memory_space<hbm>>, %arg5: memref<320000xi32, #tpu.memory_space<hbm>>, %arg6: memref<320000xi32, #tpu.memory_space<hbm>>, %arg7: memref<20000x128xf32, #tpu.memory_space<hbm>>, %arg8: memref<2560x128xf32, #tpu.memory_space<hbm>>, %arg9: memref<32xi32, #tpu.memory_space<vmem>>, %arg10: memref<32xi32, #tpu.memory_space<vmem>>, %arg11: memref<32xi32, #tpu.memory_space<vmem>>, %arg12: memref<48xi32, #tpu.memory_space<vmem>>, %arg13: memref<32x256xf32, #tpu.memory_space<vmem>>, %arg14: memref<32x16xf32, #tpu.memory_space<vmem>>, %arg15: memref<32x128xf32, #tpu.memory_space<vmem>>, %arg16: memref<32x128xf32, #tpu.memory_space<vmem>>, %arg17: memref<128xf32, #tpu.memory_space<vmem>>, %arg18: memref<10000x128xf32, #tpu.memory_space<vmem_shared>>, %arg19: memref<1256x128xf32, #tpu.memory_space<vmem_shared>>, %arg20: memref<!tpu.dma_semaphore, #tpu.memory_space<semaphore_mem>>) attributes {dimension_semantics = [#tpu.dimension_semantics<core_parallel>, #tpu.dimension_semantics<subcore_parallel>], iteration_bounds = array<i64: 2, 16>, scalar_prefetch = 0 : i64, scratch_operands = 12 : i64, tpu.core_type = #tpu.core_type<sc_vector_subcore>, window_params = [{transform_indices = #map}, {transform_indices = #map}, {transform_indices = #map1}, {transform_indices = #map1}, {transform_indices = #map1}, {transform_indices = #map}, {transform_indices = #map}]} {
    %mul3A = arith.constant 16 : i32
    %mul3A_0 = arith.muli %arg0, %mul3A : i32
    %add3A = arith.addi %mul3A_0, %arg1 : i32
    %iota3A = tpu.iota {dimensions = array<i32: 0>} : vector<16xi32>
    %broadcast_in_dim3A = arith.constant 0.000000e+00 : f32
    %broadcast_in_dim3A_1 = vector.broadcast %broadcast_in_dim3A : f32 to vector<16xf32>
    %scan3A = arith.constant 0 : i32
    %scan3A_2 = arith.constant 0 : i32
    %scan3A_3 = arith.constant 32 : i32
    %scan3A_4 = arith.addi %scan3A_2, %scan3A_3 : i32
    %scan3A_5 = arith.constant 1 : i32
    %scan3A_6 = scf.for %scan3A_42 = %scan3A_2 to %scan3A_4 step %scan3A_5 iter_args(%scan3A_43 = %scan3A) -> (i32)  : i32 {
      %swap3A = arith.index_cast %scan3A_42 : i32 to index
      %swap3A_44 = arith.constant 0 : index
      %swap3A_45 = tpu.vector_load %arg15[%swap3A, %swap3A_44] {strides = array<i32>} : memref<32x128xf32, #tpu.memory_space<vmem>>, vector<1x16xf32>,
      %swap3A_46 = vector.shape_cast %swap3A_45 : vector<1x16xf32> to vector<16xf32>
      %swap3A_47 = vector.shape_cast %broadcast_in_dim3A_1 : vector<16xf32> to vector<1x16xf32>
      tpu.vector_store %arg15[%swap3A, %swap3A_44], %swap3A_47 {strides = array<i32>} : memref<32x128xf32, #tpu.memory_space<vmem>>, vector<1x16xf32>,
      %swap3A_48 = arith.index_cast %scan3A_42 : i32 to index
      %swap3A_49 = arith.constant 0 : index
      %swap3A_50 = tpu.vector_load %arg16[%swap3A_48, %swap3A_49] {strides = array<i32>} : memref<32x128xf32, #tpu.memory_space<vmem>>, vector<1x16xf32>,
      %swap3A_51 = vector.shape_cast %swap3A_50 : vector<1x16xf32> to vector<16xf32>
      %swap3A_52 = vector.shape_cast %broadcast_in_dim3A_1 : vector<16xf32> to vector<1x16xf32>
      tpu.vector_store %arg16[%swap3A_48, %swap3A_49], %swap3A_52 {strides = array<i32>} : memref<32x128xf32, #tpu.memory_space<vmem>>, vector<1x16xf32>,
      %swap3A_53 = arith.index_cast %scan3A_42 : i32 to index
      %swap3A_54 = arith.constant 16 : index
      %swap3A_55 = tpu.vector_load %arg15[%swap3A_53, %swap3A_54] {strides = array<i32>} : memref<32x128xf32, #tpu.memory_space<vmem>>, vector<1x16xf32>,
      %swap3A_56 = vector.shape_cast %swap3A_55 : vector<1x16xf32> to vector<16xf32>
      %swap3A_57 = vector.shape_cast %broadcast_in_dim3A_1 : vector<16xf32> to vector<1x16xf32>
      tpu.vector_store %arg15[%swap3A_53, %swap3A_54], %swap3A_57 {strides = array<i32>} : memref<32x128xf32, #tpu.memory_space<vmem>>, vector<1x16xf32>,
      %swap3A_58 = arith.index_cast %scan3A_42 : i32 to index
      %swap3A_59 = arith.constant 16 : index
      %swap3A_60 = tpu.vector_load %arg16[%swap3A_58, %swap3A_59] {strides = array<i32>} : memref<32x128xf32, #tpu.memory_space<vmem>>, vector<1x16xf32>,
      %swap3A_61 = vector.shape_cast %swap3A_60 : vector<1x16xf32> to vector<16xf32>
      %swap3A_62 = vector.shape_cast %broadcast_in_dim3A_1 : vector<16xf32> to vector<1x16xf32>
      tpu.vector_store %arg16[%swap3A_58, %swap3A_59], %swap3A_62 {strides = array<i32>} : memref<32x128xf32, #tpu.memory_space<vmem>>, vector<1x16xf32>,
      %swap3A_63 = arith.index_cast %scan3A_42 : i32 to index
      %swap3A_64 = arith.constant 32 : index
      %swap3A_65 = tpu.vector_load %arg15[%swap3A_63, %swap3A_64] {strides = array<i32>} : memref<32x128xf32, #tpu.memory_space<vmem>>, vector<1x16xf32>,
      %swap3A_66 = vector.shape_cast %swap3A_65 : vector<1x16xf32> to vector<16xf32>
      %swap3A_67 = vector.shape_cast %broadcast_in_dim3A_1 : vector<16xf32> to vector<1x16xf32>
      tpu.vector_store %arg15[%swap3A_63, %swap3A_64], %swap3A_67 {strides = array<i32>} : memref<32x128xf32, #tpu.memory_space<vmem>>, vector<1x16xf32>,
      %swap3A_68 = arith.index_cast %scan3A_42 : i32 to index
      %swap3A_69 = arith.constant 32 : index
      %swap3A_70 = tpu.vector_load %arg16[%swap3A_68, %swap3A_69] {strides = array<i32>} : memref<32x128xf32, #tpu.memory_space<vmem>>, vector<1x16xf32>,
      %swap3A_71 = vector.shape_cast %swap3A_70 : vector<1x16xf32> to vector<16xf32>
      %swap3A_72 = vector.shape_cast %broadcast_in_dim3A_1 : vector<16xf32> to vector<1x16xf32>
      tpu.vector_store %arg16[%swap3A_68, %swap3A_69], %swap3A_72 {strides = array<i32>} : memref<32x128xf32, #tpu.memory_space<vmem>>, vector<1x16xf32>,
      %swap3A_73 = arith.index_cast %scan3A_42 : i32 to index
      %swap3A_74 = arith.constant 48 : index
      %swap3A_75 = tpu.vector_load %arg15[%swap3A_73, %swap3A_74] {strides = array<i32>} : memref<32x128xf32, #tpu.memory_space<vmem>>, vector<1x16xf32>,
      %swap3A_76 = vector.shape_cast %swap3A_75 : vector<1x16xf32> to vector<16xf32>
      %swap3A_77 = vector.shape_cast %broadcast_in_dim3A_1 : vector<16xf32> to vector<1x16xf32>
      tpu.vector_store %arg15[%swap3A_73, %swap3A_74], %swap3A_77 {strides = array<i32>} : memref<32x128xf32, #tpu.memory_space<vmem>>, vector<1x16xf32>,
      %swap3A_78 = arith.index_cast %scan3A_42 : i32 to index
      %swap3A_79 = arith.constant 48 : index
      %swap3A_80 = tpu.vector_load %arg16[%swap3A_78, %swap3A_79] {strides = array<i32>} : memref<32x128xf32, #tpu.memory_space<vmem>>, vector<1x16xf32>,
      %swap3A_81 = vector.shape_cast %swap3A_80 : vector<1x16xf32> to vector<16xf32>
      %swap3A_82 = vector.shape_cast %broadcast_in_dim3A_1 : vector<16xf32> to vector<1x16xf32>
      tpu.vector_store %arg16[%swap3A_78, %swap3A_79], %swap3A_82 {strides = array<i32>} : memref<32x128xf32, #tpu.memory_space<vmem>>, vector<1x16xf32>,
      %swap3A_83 = arith.index_cast %scan3A_42 : i32 to index
      %swap3A_84 = arith.constant 64 : index
      %swap3A_85 = tpu.vector_load %arg15[%swap3A_83, %swap3A_84] {strides = array<i32>} : memref<32x128xf32, #tpu.memory_space<vmem>>, vector<1x16xf32>,
      %swap3A_86 = vector.shape_cast %swap3A_85 : vector<1x16xf32> to vector<16xf32>
      %swap3A_87 = vector.shape_cast %broadcast_in_dim3A_1 : vector<16xf32> to vector<1x16xf32>
      tpu.vector_store %arg15[%swap3A_83, %swap3A_84], %swap3A_87 {strides = array<i32>} : memref<32x128xf32, #tpu.memory_space<vmem>>, vector<1x16xf32>,
      %swap3A_88 = arith.index_cast %scan3A_42 : i32 to index
      %swap3A_89 = arith.constant 64 : index
      %swap3A_90 = tpu.vector_load %arg16[%swap3A_88, %swap3A_89] {strides = array<i32>} : memref<32x128xf32, #tpu.memory_space<vmem>>, vector<1x16xf32>,
      %swap3A_91 = vector.shape_cast %swap3A_90 : vector<1x16xf32> to vector<16xf32>
      %swap3A_92 = vector.shape_cast %broadcast_in_dim3A_1 : vector<16xf32> to vector<1x16xf32>
      tpu.vector_store %arg16[%swap3A_88, %swap3A_89], %swap3A_92 {strides = array<i32>} : memref<32x128xf32, #tpu.memory_space<vmem>>, vector<1x16xf32>,
      %swap3A_93 = arith.index_cast %scan3A_42 : i32 to index
      %swap3A_94 = arith.constant 80 : index
      %swap3A_95 = tpu.vector_load %arg15[%swap3A_93, %swap3A_94] {strides = array<i32>} : memref<32x128xf32, #tpu.memory_space<vmem>>, vector<1x16xf32>,
      %swap3A_96 = vector.shape_cast %swap3A_95 : vector<1x16xf32> to vector<16xf32>
      %swap3A_97 = vector.shape_cast %broadcast_in_dim3A_1 : vector<16xf32> to vector<1x16xf32>
      tpu.vector_store %arg15[%swap3A_93, %swap3A_94], %swap3A_97 {strides = array<i32>} : memref<32x128xf32, #tpu.memory_space<vmem>>, vector<1x16xf32>,
      %swap3A_98 = arith.index_cast %scan3A_42 : i32 to index
      %swap3A_99 = arith.constant 80 : index
      %swap3A_100 = tpu.vector_load %arg16[%swap3A_98, %swap3A_99] {strides = array<i32>} : memref<32x128xf32, #tpu.memory_space<vmem>>, vector<1x16xf32>,
      %swap3A_101 = vector.shape_cast %swap3A_100 : vector<1x16xf32> to vector<16xf32>
      %swap3A_102 = vector.shape_cast %broadcast_in_dim3A_1 : vector<16xf32> to vector<1x16xf32>
      tpu.vector_store %arg16[%swap3A_98, %swap3A_99], %swap3A_102 {strides = array<i32>} : memref<32x128xf32, #tpu.memory_space<vmem>>, vector<1x16xf32>,
      %swap3A_103 = arith.index_cast %scan3A_42 : i32 to index
      %swap3A_104 = arith.constant 96 : index
      %swap3A_105 = tpu.vector_load %arg15[%swap3A_103, %swap3A_104] {strides = array<i32>} : memref<32x128xf32, #tpu.memory_space<vmem>>, vector<1x16xf32>,
      %swap3A_106 = vector.shape_cast %swap3A_105 : vector<1x16xf32> to vector<16xf32>
      %swap3A_107 = vector.shape_cast %broadcast_in_dim3A_1 : vector<16xf32> to vector<1x16xf32>
      tpu.vector_store %arg15[%swap3A_103, %swap3A_104], %swap3A_107 {strides = array<i32>} : memref<32x128xf32, #tpu.memory_space<vmem>>, vector<1x16xf32>,
      %swap3A_108 = arith.index_cast %scan3A_42 : i32 to index
      %swap3A_109 = arith.constant 96 : index
      %swap3A_110 = tpu.vector_load %arg16[%swap3A_108, %swap3A_109] {strides = array<i32>} : memref<32x128xf32, #tpu.memory_space<vmem>>, vector<1x16xf32>,
      %swap3A_111 = vector.shape_cast %swap3A_110 : vector<1x16xf32> to vector<16xf32>
      %swap3A_112 = vector.shape_cast %broadcast_in_dim3A_1 : vector<16xf32> to vector<1x16xf32>
      tpu.vector_store %arg16[%swap3A_108, %swap3A_109], %swap3A_112 {strides = array<i32>} : memref<32x128xf32, #tpu.memory_space<vmem>>, vector<1x16xf32>,
      %swap3A_113 = arith.index_cast %scan3A_42 : i32 to index
      %swap3A_114 = arith.constant 112 : index
      %swap3A_115 = tpu.vector_load %arg15[%swap3A_113, %swap3A_114] {strides = array<i32>} : memref<32x128xf32, #tpu.memory_space<vmem>>, vector<1x16xf32>,
      %swap3A_116 = vector.shape_cast %swap3A_115 : vector<1x16xf32> to vector<16xf32>
      %swap3A_117 = vector.shape_cast %broadcast_in_dim3A_1 : vector<16xf32> to vector<1x16xf32>
      tpu.vector_store %arg15[%swap3A_113, %swap3A_114], %swap3A_117 {strides = array<i32>} : memref<32x128xf32, #tpu.memory_space<vmem>>, vector<1x16xf32>,
      %swap3A_118 = arith.index_cast %scan3A_42 : i32 to index
      %swap3A_119 = arith.constant 112 : index
      %swap3A_120 = tpu.vector_load %arg16[%swap3A_118, %swap3A_119] {strides = array<i32>} : memref<32x128xf32, #tpu.memory_space<vmem>>, vector<1x16xf32>,
      %swap3A_121 = vector.shape_cast %swap3A_120 : vector<1x16xf32> to vector<16xf32>
      %swap3A_122 = vector.shape_cast %broadcast_in_dim3A_1 : vector<16xf32> to vector<1x16xf32>
      tpu.vector_store %arg16[%swap3A_118, %swap3A_119], %swap3A_122 {strides = array<i32>} : memref<32x128xf32, #tpu.memory_space<vmem>>, vector<1x16xf32>,
      %scan3A_123 = arith.constant 0 : i32
      scf.yield %scan3A_123 : i32
    }
    %scan3A_7 = arith.constant 32 : i32
    %mul3A_8 = arith.constant 640 : i32
    %mul3A_9 = arith.muli %arg1, %mul3A_8 : i32
    %mul3A_10 = arith.constant 80 : i32
    %mul3A_11 = arith.muli %arg1, %mul3A_10 : i32
    %mul3A_12 = arith.constant 10000 : i32
    %mul3A_13 = arith.muli %arg0, %mul3A_12 : i32
    %add3A_14 = arith.addi %mul3A_13, %mul3A_9 : i32
    %mul3A_15 = arith.constant 1280 : i32
    %mul3A_16 = arith.muli %arg0, %mul3A_15 : i32
    %add3A_17 = arith.addi %mul3A_16, %mul3A_11 : i32
    %lt3A = arith.constant 15 : i32
    %lt3A_18 = arith.cmpi slt, %arg1, %lt3A : i32
    %convert_element_type3A = arith.extui %lt3A_18 : i1 to i32
    %cond3A = arith.constant 0 : i32
    %cond3A_19 = arith.cmpi ne, %convert_element_type3A, %cond3A : i32
    scf.if %cond3A_19 {
      %add3A_42 = arith.constant 0 : i32
      %add3A_43 = arith.addi %mul3A_9, %add3A_42 : i32
      "tpu.region"() ({
        %run_scoped3A = tpu.sem_alloc : memref<!tpu.dma_semaphore, #tpu.memory_space<semaphore_mem>>
        %dma_start3A = arith.constant 0 : i32
        %dma_start3A_88 = tpu.memref_slice %arg18[%add3A_43, %dma_start3A] : memref<10000x128xf32, #tpu.memory_space<vmem_shared>> -> memref<32x128xf32, #tpu.memory_space<vmem_shared>>
        %dma_start3A_89 = arith.constant 0 : i32
        %dma_start3A_90 = tpu.memref_slice %arg18[%add3A_43, %dma_start3A_89] : memref<10000x128xf32, #tpu.memory_space<vmem_shared>> -> memref<32x128xf32, #tpu.memory_space<vmem_shared>>
        tpu.enqueue_dma source(%arg15 : memref<32x128xf32, #tpu.memory_space<vmem>>) target(%dma_start3A_90 : memref<32x128xf32, #tpu.memory_space<vmem_shared>>) target_semaphore(%run_scoped3A : memref<!tpu.dma_semaphore, #tpu.memory_space<semaphore_mem>>)
        %dma_wait3A = arith.constant 0 : i32
        %dma_wait3A_91 = tpu.memref_slice %arg18[%add3A_43, %dma_wait3A] : memref<10000x128xf32, #tpu.memory_space<vmem_shared>> -> memref<32x128xf32, #tpu.memory_space<vmem_shared>>
        %dma_wait3A_92 = arith.constant 0 : i32
        %dma_wait3A_93 = tpu.memref_slice %arg18[%add3A_43, %dma_wait3A_92] : memref<10000x128xf32, #tpu.memory_space<vmem_shared>> -> memref<32x128xf32, #tpu.memory_space<vmem_shared>>
        tpu.wait_dma2 semaphore(%run_scoped3A : memref<!tpu.dma_semaphore, #tpu.memory_space<semaphore_mem>>) src(%arg15 : memref<32x128xf32, #tpu.memory_space<vmem>>) dst(%dma_wait3A_93 : memref<32x128xf32, #tpu.memory_space<vmem_shared>>)
        tpu.yield
      }) : () -> ()
      %add3A_44 = arith.constant 32 : i32
      %add3A_45 = arith.addi %mul3A_9, %add3A_44 : i32
      "tpu.region"() ({
        %run_scoped3A = tpu.sem_alloc : memref<!tpu.dma_semaphore, #tpu.memory_space<semaphore_mem>>
        %dma_start3A = arith.constant 0 : i32
        %dma_start3A_88 = tpu.memref_slice %arg18[%add3A_45, %dma_start3A] : memref<10000x128xf32, #tpu.memory_space<vmem_shared>> -> memref<32x128xf32, #tpu.memory_space<vmem_shared>>
        %dma_start3A_89 = arith.constant 0 : i32
        %dma_start3A_90 = tpu.memref_slice %arg18[%add3A_45, %dma_start3A_89] : memref<10000x128xf32, #tpu.memory_space<vmem_shared>> -> memref<32x128xf32, #tpu.memory_space<vmem_shared>>
        tpu.enqueue_dma source(%arg15 : memref<32x128xf32, #tpu.memory_space<vmem>>) target(%dma_start3A_90 : memref<32x128xf32, #tpu.memory_space<vmem_shared>>) target_semaphore(%run_scoped3A : memref<!tpu.dma_semaphore, #tpu.memory_space<semaphore_mem>>)
        %dma_wait3A = arith.constant 0 : i32
        %dma_wait3A_91 = tpu.memref_slice %arg18[%add3A_45, %dma_wait3A] : memref<10000x128xf32, #tpu.memory_space<vmem_shared>> -> memref<32x128xf32, #tpu.memory_space<vmem_shared>>
        %dma_wait3A_92 = arith.constant 0 : i32
        %dma_wait3A_93 = tpu.memref_slice %arg18[%add3A_45, %dma_wait3A_92] : memref<10000x128xf32, #tpu.memory_space<vmem_shared>> -> memref<32x128xf32, #tpu.memory_space<vmem_shared>>
        tpu.wait_dma2 semaphore(%run_scoped3A : memref<!tpu.dma_semaphore, #tpu.memory_space<semaphore_mem>>) src(%arg15 : memref<32x128xf32, #tpu.memory_space<vmem>>) dst(%dma_wait3A_93 : memref<32x128xf32, #tpu.memory_space<vmem_shared>>)
        tpu.yield
      }) : () -> ()
      %add3A_46 = arith.constant 64 : i32
      %add3A_47 = arith.addi %mul3A_9, %add3A_46 : i32
      "tpu.region"() ({
        %run_scoped3A = tpu.sem_alloc : memref<!tpu.dma_semaphore, #tpu.memory_space<semaphore_mem>>
        %dma_start3A = arith.constant 0 : i32
        %dma_start3A_88 = tpu.memref_slice %arg18[%add3A_47, %dma_start3A] : memref<10000x128xf32, #tpu.memory_space<vmem_shared>> -> memref<32x128xf32, #tpu.memory_space<vmem_shared>>
        %dma_start3A_89 = arith.constant 0 : i32
        %dma_start3A_90 = tpu.memref_slice %arg18[%add3A_47, %dma_start3A_89] : memref<10000x128xf32, #tpu.memory_space<vmem_shared>> -> memref<32x128xf32, #tpu.memory_space<vmem_shared>>
        tpu.enqueue_dma source(%arg15 : memref<32x128xf32, #tpu.memory_space<vmem>>) target(%dma_start3A_90 : memref<32x128xf32, #tpu.memory_space<vmem_shared>>) target_semaphore(%run_scoped3A : memref<!tpu.dma_semaphore, #tpu.memory_space<semaphore_mem>>)
        %dma_wait3A = arith.constant 0 : i32
        %dma_wait3A_91 = tpu.memref_slice %arg18[%add3A_47, %dma_wait3A] : memref<10000x128xf32, #tpu.memory_space<vmem_shared>> -> memref<32x128xf32, #tpu.memory_space<vmem_shared>>
        %dma_wait3A_92 = arith.constant 0 : i32
        %dma_wait3A_93 = tpu.memref_slice %arg18[%add3A_47, %dma_wait3A_92] : memref<10000x128xf32, #tpu.memory_space<vmem_shared>> -> memref<32x128xf32, #tpu.memory_space<vmem_shared>>
        tpu.wait_dma2 semaphore(%run_scoped3A : memref<!tpu.dma_semaphore, #tpu.memory_space<semaphore_mem>>) src(%arg15 : memref<32x128xf32, #tpu.memory_space<vmem>>) dst(%dma_wait3A_93 : memref<32x128xf32, #tpu.memory_space<vmem_shared>>)
        tpu.yield
      }) : () -> ()
      %add3A_48 = arith.constant 96 : i32
      %add3A_49 = arith.addi %mul3A_9, %add3A_48 : i32
      "tpu.region"() ({
        %run_scoped3A = tpu.sem_alloc : memref<!tpu.dma_semaphore, #tpu.memory_space<semaphore_mem>>
        %dma_start3A = arith.constant 0 : i32
        %dma_start3A_88 = tpu.memref_slice %arg18[%add3A_49, %dma_start3A] : memref<10000x128xf32, #tpu.memory_space<vmem_shared>> -> memref<32x128xf32, #tpu.memory_space<vmem_shared>>
        %dma_start3A_89 = arith.constant 0 : i32
        %dma_start3A_90 = tpu.memref_slice %arg18[%add3A_49, %dma_start3A_89] : memref<10000x128xf32, #tpu.memory_space<vmem_shared>> -> memref<32x128xf32, #tpu.memory_space<vmem_shared>>
        tpu.enqueue_dma source(%arg15 : memref<32x128xf32, #tpu.memory_space<vmem>>) target(%dma_start3A_90 : memref<32x128xf32, #tpu.memory_space<vmem_shared>>) target_semaphore(%run_scoped3A : memref<!tpu.dma_semaphore, #tpu.memory_space<semaphore_mem>>)
        %dma_wait3A = arith.constant 0 : i32
        %dma_wait3A_91 = tpu.memref_slice %arg18[%add3A_49, %dma_wait3A] : memref<10000x128xf32, #tpu.memory_space<vmem_shared>> -> memref<32x128xf32, #tpu.memory_space<vmem_shared>>
        %dma_wait3A_92 = arith.constant 0 : i32
        %dma_wait3A_93 = tpu.memref_slice %arg18[%add3A_49, %dma_wait3A_92] : memref<10000x128xf32, #tpu.memory_space<vmem_shared>> -> memref<32x128xf32, #tpu.memory_space<vmem_shared>>
        tpu.wait_dma2 semaphore(%run_scoped3A : memref<!tpu.dma_semaphore, #tpu.memory_space<semaphore_mem>>) src(%arg15 : memref<32x128xf32, #tpu.memory_space<vmem>>) dst(%dma_wait3A_93 : memref<32x128xf32, #tpu.memory_space<vmem_shared>>)
        tpu.yield
      }) : () -> ()
      %add3A_50 = arith.constant 128 : i32
      %add3A_51 = arith.addi %mul3A_9, %add3A_50 : i32
      "tpu.region"() ({
        %run_scoped3A = tpu.sem_alloc : memref<!tpu.dma_semaphore, #tpu.memory_space<semaphore_mem>>
        %dma_start3A = arith.constant 0 : i32
        %dma_start3A_88 = tpu.memref_slice %arg18[%add3A_51, %dma_start3A] : memref<10000x128xf32, #tpu.memory_space<vmem_shared>> -> memref<32x128xf32, #tpu.memory_space<vmem_shared>>
        %dma_start3A_89 = arith.constant 0 : i32
        %dma_start3A_90 = tpu.memref_slice %arg18[%add3A_51, %dma_start3A_89] : memref<10000x128xf32, #tpu.memory_space<vmem_shared>> -> memref<32x128xf32, #tpu.memory_space<vmem_shared>>
        tpu.enqueue_dma source(%arg15 : memref<32x128xf32, #tpu.memory_space<vmem>>) target(%dma_start3A_90 : memref<32x128xf32, #tpu.memory_space<vmem_shared>>) target_semaphore(%run_scoped3A : memref<!tpu.dma_semaphore, #tpu.memory_space<semaphore_mem>>)
        %dma_wait3A = arith.constant 0 : i32
        %dma_wait3A_91 = tpu.memref_slice %arg18[%add3A_51, %dma_wait3A] : memref<10000x128xf32, #tpu.memory_space<vmem_shared>> -> memref<32x128xf32, #tpu.memory_space<vmem_shared>>
        %dma_wait3A_92 = arith.constant 0 : i32
        %dma_wait3A_93 = tpu.memref_slice %arg18[%add3A_51, %dma_wait3A_92] : memref<10000x128xf32, #tpu.memory_space<vmem_shared>> -> memref<32x128xf32, #tpu.memory_space<vmem_shared>>
        tpu.wait_dma2 semaphore(%run_scoped3A : memref<!tpu.dma_semaphore, #tpu.memory_space<semaphore_mem>>) src(%arg15 : memref<32x128xf32, #tpu.memory_space<vmem>>) dst(%dma_wait3A_93 : memref<32x128xf32, #tpu.memory_space<vmem_shared>>)
        tpu.yield
      }) : () -> ()
      %add3A_52 = arith.constant 160 : i32
      %add3A_53 = arith.addi %mul3A_9, %add3A_52 : i32
      "tpu.region"() ({
        %run_scoped3A = tpu.sem_alloc : memref<!tpu.dma_semaphore, #tpu.memory_space<semaphore_mem>>
        %dma_start3A = arith.constant 0 : i32
        %dma_start3A_88 = tpu.memref_slice %arg18[%add3A_53, %dma_start3A] : memref<10000x128xf32, #tpu.memory_space<vmem_shared>> -> memref<32x128xf32, #tpu.memory_space<vmem_shared>>
        %dma_start3A_89 = arith.constant 0 : i32
        %dma_start3A_90 = tpu.memref_slice %arg18[%add3A_53, %dma_start3A_89] : memref<10000x128xf32, #tpu.memory_space<vmem_shared>> -> memref<32x128xf32, #tpu.memory_space<vmem_shared>>
        tpu.enqueue_dma source(%arg15 : memref<32x128xf32, #tpu.memory_space<vmem>>) target(%dma_start3A_90 : memref<32x128xf32, #tpu.memory_space<vmem_shared>>) target_semaphore(%run_scoped3A : memref<!tpu.dma_semaphore, #tpu.memory_space<semaphore_mem>>)
        %dma_wait3A = arith.constant 0 : i32
        %dma_wait3A_91 = tpu.memref_slice %arg18[%add3A_53, %dma_wait3A] : memref<10000x128xf32, #tpu.memory_space<vmem_shared>> -> memref<32x128xf32, #tpu.memory_space<vmem_shared>>
        %dma_wait3A_92 = arith.constant 0 : i32
        %dma_wait3A_93 = tpu.memref_slice %arg18[%add3A_53, %dma_wait3A_92] : memref<10000x128xf32, #tpu.memory_space<vmem_shared>> -> memref<32x128xf32, #tpu.memory_space<vmem_shared>>
        tpu.wait_dma2 semaphore(%run_scoped3A : memref<!tpu.dma_semaphore, #tpu.memory_space<semaphore_mem>>) src(%arg15 : memref<32x128xf32, #tpu.memory_space<vmem>>) dst(%dma_wait3A_93 : memref<32x128xf32, #tpu.memory_space<vmem_shared>>)
        tpu.yield
      }) : () -> ()
      %add3A_54 = arith.constant 192 : i32
      %add3A_55 = arith.addi %mul3A_9, %add3A_54 : i32
      "tpu.region"() ({
        %run_scoped3A = tpu.sem_alloc : memref<!tpu.dma_semaphore, #tpu.memory_space<semaphore_mem>>
        %dma_start3A = arith.constant 0 : i32
        %dma_start3A_88 = tpu.memref_slice %arg18[%add3A_55, %dma_start3A] : memref<10000x128xf32, #tpu.memory_space<vmem_shared>> -> memref<32x128xf32, #tpu.memory_space<vmem_shared>>
        %dma_start3A_89 = arith.constant 0 : i32
        %dma_start3A_90 = tpu.memref_slice %arg18[%add3A_55, %dma_start3A_89] : memref<10000x128xf32, #tpu.memory_space<vmem_shared>> -> memref<32x128xf32, #tpu.memory_space<vmem_shared>>
        tpu.enqueue_dma source(%arg15 : memref<32x128xf32, #tpu.memory_space<vmem>>) target(%dma_start3A_90 : memref<32x128xf32, #tpu.memory_space<vmem_shared>>) target_semaphore(%run_scoped3A : memref<!tpu.dma_semaphore, #tpu.memory_space<semaphore_mem>>)
        %dma_wait3A = arith.constant 0 : i32
        %dma_wait3A_91 = tpu.memref_slice %arg18[%add3A_55, %dma_wait3A] : memref<10000x128xf32, #tpu.memory_space<vmem_shared>> -> memref<32x128xf32, #tpu.memory_space<vmem_shared>>
        %dma_wait3A_92 = arith.constant 0 : i32
        %dma_wait3A_93 = tpu.memref_slice %arg18[%add3A_55, %dma_wait3A_92] : memref<10000x128xf32, #tpu.memory_space<vmem_shared>> -> memref<32x128xf32, #tpu.memory_space<vmem_shared>>
        tpu.wait_dma2 semaphore(%run_scoped3A : memref<!tpu.dma_semaphore, #tpu.memory_space<semaphore_mem>>) src(%arg15 : memref<32x128xf32, #tpu.memory_space<vmem>>) dst(%dma_wait3A_93 : memref<32x128xf32, #tpu.memory_space<vmem_shared>>)
        tpu.yield
      }) : () -> ()
      %add3A_56 = arith.constant 224 : i32
      %add3A_57 = arith.addi %mul3A_9, %add3A_56 : i32
      "tpu.region"() ({
        %run_scoped3A = tpu.sem_alloc : memref<!tpu.dma_semaphore, #tpu.memory_space<semaphore_mem>>
        %dma_start3A = arith.constant 0 : i32
        %dma_start3A_88 = tpu.memref_slice %arg18[%add3A_57, %dma_start3A] : memref<10000x128xf32, #tpu.memory_space<vmem_shared>> -> memref<32x128xf32, #tpu.memory_space<vmem_shared>>
        %dma_start3A_89 = arith.constant 0 : i32
        %dma_start3A_90 = tpu.memref_slice %arg18[%add3A_57, %dma_start3A_89] : memref<10000x128xf32, #tpu.memory_space<vmem_shared>> -> memref<32x128xf32, #tpu.memory_space<vmem_shared>>
        tpu.enqueue_dma source(%arg15 : memref<32x128xf32, #tpu.memory_space<vmem>>) target(%dma_start3A_90 : memref<32x128xf32, #tpu.memory_space<vmem_shared>>) target_semaphore(%run_scoped3A : memref<!tpu.dma_semaphore, #tpu.memory_space<semaphore_mem>>)
        %dma_wait3A = arith.constant 0 : i32
        %dma_wait3A_91 = tpu.memref_slice %arg18[%add3A_57, %dma_wait3A] : memref<10000x128xf32, #tpu.memory_space<vmem_shared>> -> memref<32x128xf32, #tpu.memory_space<vmem_shared>>
        %dma_wait3A_92 = arith.constant 0 : i32
        %dma_wait3A_93 = tpu.memref_slice %arg18[%add3A_57, %dma_wait3A_92] : memref<10000x128xf32, #tpu.memory_space<vmem_shared>> -> memref<32x128xf32, #tpu.memory_space<vmem_shared>>
        tpu.wait_dma2 semaphore(%run_scoped3A : memref<!tpu.dma_semaphore, #tpu.memory_space<semaphore_mem>>) src(%arg15 : memref<32x128xf32, #tpu.memory_space<vmem>>) dst(%dma_wait3A_93 : memref<32x128xf32, #tpu.memory_space<vmem_shared>>)
        tpu.yield
      }) : () -> ()
      %add3A_58 = arith.constant 256 : i32
      %add3A_59 = arith.addi %mul3A_9, %add3A_58 : i32
      "tpu.region"() ({
        %run_scoped3A = tpu.sem_alloc : memref<!tpu.dma_semaphore, #tpu.memory_space<semaphore_mem>>
        %dma_start3A = arith.constant 0 : i32
        %dma_start3A_88 = tpu.memref_slice %arg18[%add3A_59, %dma_start3A] : memref<10000x128xf32, #tpu.memory_space<vmem_shared>> -> memref<32x128xf32, #tpu.memory_space<vmem_shared>>
        %dma_start3A_89 = arith.constant 0 : i32
        %dma_start3A_90 = tpu.memref_slice %arg18[%add3A_59, %dma_start3A_89] : memref<10000x128xf32, #tpu.memory_space<vmem_shared>> -> memref<32x128xf32, #tpu.memory_space<vmem_shared>>
        tpu.enqueue_dma source(%arg15 : memref<32x128xf32, #tpu.memory_space<vmem>>) target(%dma_start3A_90 : memref<32x128xf32, #tpu.memory_space<vmem_shared>>) target_semaphore(%run_scoped3A : memref<!tpu.dma_semaphore, #tpu.memory_space<semaphore_mem>>)
        %dma_wait3A = arith.constant 0 : i32
        %dma_wait3A_91 = tpu.memref_slice %arg18[%add3A_59, %dma_wait3A] : memref<10000x128xf32, #tpu.memory_space<vmem_shared>> -> memref<32x128xf32, #tpu.memory_space<vmem_shared>>
        %dma_wait3A_92 = arith.constant 0 : i32
        %dma_wait3A_93 = tpu.memref_slice %arg18[%add3A_59, %dma_wait3A_92] : memref<10000x128xf32, #tpu.memory_space<vmem_shared>> -> memref<32x128xf32, #tpu.memory_space<vmem_shared>>
        tpu.wait_dma2 semaphore(%run_scoped3A : memref<!tpu.dma_semaphore, #tpu.memory_space<semaphore_mem>>) src(%arg15 : memref<32x128xf32, #tpu.memory_space<vmem>>) dst(%dma_wait3A_93 : memref<32x128xf32, #tpu.memory_space<vmem_shared>>)
        tpu.yield
      }) : () -> ()
      %add3A_60 = arith.constant 288 : i32
      %add3A_61 = arith.addi %mul3A_9, %add3A_60 : i32
      "tpu.region"() ({
        %run_scoped3A = tpu.sem_alloc : memref<!tpu.dma_semaphore, #tpu.memory_space<semaphore_mem>>
        %dma_start3A = arith.constant 0 : i32
        %dma_start3A_88 = tpu.memref_slice %arg18[%add3A_61, %dma_start3A] : memref<10000x128xf32, #tpu.memory_space<vmem_shared>> -> memref<32x128xf32, #tpu.memory_space<vmem_shared>>
        %dma_start3A_89 = arith.constant 0 : i32
        %dma_start3A_90 = tpu.memref_slice %arg18[%add3A_61, %dma_start3A_89] : memref<10000x128xf32, #tpu.memory_space<vmem_shared>> -> memref<32x128xf32, #tpu.memory_space<vmem_shared>>
        tpu.enqueue_dma source(%arg15 : memref<32x128xf32, #tpu.memory_space<vmem>>) target(%dma_start3A_90 : memref<32x128xf32, #tpu.memory_space<vmem_shared>>) target_semaphore(%run_scoped3A : memref<!tpu.dma_semaphore, #tpu.memory_space<semaphore_mem>>)
        %dma_wait3A = arith.constant 0 : i32
        %dma_wait3A_91 = tpu.memref_slice %arg18[%add3A_61, %dma_wait3A] : memref<10000x128xf32, #tpu.memory_space<vmem_shared>> -> memref<32x128xf32, #tpu.memory_space<vmem_shared>>
        %dma_wait3A_92 = arith.constant 0 : i32
        %dma_wait3A_93 = tpu.memref_slice %arg18[%add3A_61, %dma_wait3A_92] : memref<10000x128xf32, #tpu.memory_space<vmem_shared>> -> memref<32x128xf32, #tpu.memory_space<vmem_shared>>
        tpu.wait_dma2 semaphore(%run_scoped3A : memref<!tpu.dma_semaphore, #tpu.memory_space<semaphore_mem>>) src(%arg15 : memref<32x128xf32, #tpu.memory_space<vmem>>) dst(%dma_wait3A_93 : memref<32x128xf32, #tpu.memory_space<vmem_shared>>)
        tpu.yield
      }) : () -> ()
      %add3A_62 = arith.constant 320 : i32
      %add3A_63 = arith.addi %mul3A_9, %add3A_62 : i32
      "tpu.region"() ({
        %run_scoped3A = tpu.sem_alloc : memref<!tpu.dma_semaphore, #tpu.memory_space<semaphore_mem>>
        %dma_start3A = arith.constant 0 : i32
        %dma_start3A_88 = tpu.memref_slice %arg18[%add3A_63, %dma_start3A] : memref<10000x128xf32, #tpu.memory_space<vmem_shared>> -> memref<32x128xf32, #tpu.memory_space<vmem_shared>>
        %dma_start3A_89 = arith.constant 0 : i32
        %dma_start3A_90 = tpu.memref_slice %arg18[%add3A_63, %dma_start3A_89] : memref<10000x128xf32, #tpu.memory_space<vmem_shared>> -> memref<32x128xf32, #tpu.memory_space<vmem_shared>>
        tpu.enqueue_dma source(%arg15 : memref<32x128xf32, #tpu.memory_space<vmem>>) target(%dma_start3A_90 : memref<32x128xf32, #tpu.memory_space<vmem_shared>>) target_semaphore(%run_scoped3A : memref<!tpu.dma_semaphore, #tpu.memory_space<semaphore_mem>>)
        %dma_wait3A = arith.constant 0 : i32
        %dma_wait3A_91 = tpu.memref_slice %arg18[%add3A_63, %dma_wait3A] : memref<10000x128xf32, #tpu.memory_space<vmem_shared>> -> memref<32x128xf32, #tpu.memory_space<vmem_shared>>
        %dma_wait3A_92 = arith.constant 0 : i32
        %dma_wait3A_93 = tpu.memref_slice %arg18[%add3A_63, %dma_wait3A_92] : memref<10000x128xf32, #tpu.memory_space<vmem_shared>> -> memref<32x128xf32, #tpu.memory_space<vmem_shared>>
        tpu.wait_dma2 semaphore(%run_scoped3A : memref<!tpu.dma_semaphore, #tpu.memory_space<semaphore_mem>>) src(%arg15 : memref<32x128xf32, #tpu.memory_space<vmem>>) dst(%dma_wait3A_93 : memref<32x128xf32, #tpu.memory_space<vmem_shared>>)
        tpu.yield
      }) : () -> ()
      %add3A_64 = arith.constant 352 : i32
      %add3A_65 = arith.addi %mul3A_9, %add3A_64 : i32
      "tpu.region"() ({
        %run_scoped3A = tpu.sem_alloc : memref<!tpu.dma_semaphore, #tpu.memory_space<semaphore_mem>>
        %dma_start3A = arith.constant 0 : i32
        %dma_start3A_88 = tpu.memref_slice %arg18[%add3A_65, %dma_start3A] : memref<10000x128xf32, #tpu.memory_space<vmem_shared>> -> memref<32x128xf32, #tpu.memory_space<vmem_shared>>
        %dma_start3A_89 = arith.constant 0 : i32
        %dma_start3A_90 = tpu.memref_slice %arg18[%add3A_65, %dma_start3A_89] : memref<10000x128xf32, #tpu.memory_space<vmem_shared>> -> memref<32x128xf32, #tpu.memory_space<vmem_shared>>
        tpu.enqueue_dma source(%arg15 : memref<32x128xf32, #tpu.memory_space<vmem>>) target(%dma_start3A_90 : memref<32x128xf32, #tpu.memory_space<vmem_shared>>) target_semaphore(%run_scoped3A : memref<!tpu.dma_semaphore, #tpu.memory_space<semaphore_mem>>)
        %dma_wait3A = arith.constant 0 : i32
        %dma_wait3A_91 = tpu.memref_slice %arg18[%add3A_65, %dma_wait3A] : memref<10000x128xf32, #tpu.memory_space<vmem_shared>> -> memref<32x128xf32, #tpu.memory_space<vmem_shared>>
        %dma_wait3A_92 = arith.constant 0 : i32
        %dma_wait3A_93 = tpu.memref_slice %arg18[%add3A_65, %dma_wait3A_92] : memref<10000x128xf32, #tpu.memory_space<vmem_shared>> -> memref<32x128xf32, #tpu.memory_space<vmem_shared>>
        tpu.wait_dma2 semaphore(%run_scoped3A : memref<!tpu.dma_semaphore, #tpu.memory_space<semaphore_mem>>) src(%arg15 : memref<32x128xf32, #tpu.memory_space<vmem>>) dst(%dma_wait3A_93 : memref<32x128xf32, #tpu.memory_space<vmem_shared>>)
        tpu.yield
      }) : () -> ()
      %add3A_66 = arith.constant 384 : i32
      %add3A_67 = arith.addi %mul3A_9, %add3A_66 : i32
      "tpu.region"() ({
        %run_scoped3A = tpu.sem_alloc : memref<!tpu.dma_semaphore, #tpu.memory_space<semaphore_mem>>
        %dma_start3A = arith.constant 0 : i32
        %dma_start3A_88 = tpu.memref_slice %arg18[%add3A_67, %dma_start3A] : memref<10000x128xf32, #tpu.memory_space<vmem_shared>> -> memref<32x128xf32, #tpu.memory_space<vmem_shared>>
        %dma_start3A_89 = arith.constant 0 : i32
        %dma_start3A_90 = tpu.memref_slice %arg18[%add3A_67, %dma_start3A_89] : memref<10000x128xf32, #tpu.memory_space<vmem_shared>> -> memref<32x128xf32, #tpu.memory_space<vmem_shared>>
        tpu.enqueue_dma source(%arg15 : memref<32x128xf32, #tpu.memory_space<vmem>>) target(%dma_start3A_90 : memref<32x128xf32, #tpu.memory_space<vmem_shared>>) target_semaphore(%run_scoped3A : memref<!tpu.dma_semaphore, #tpu.memory_space<semaphore_mem>>)
        %dma_wait3A = arith.constant 0 : i32
        %dma_wait3A_91 = tpu.memref_slice %arg18[%add3A_67, %dma_wait3A] : memref<10000x128xf32, #tpu.memory_space<vmem_shared>> -> memref<32x128xf32, #tpu.memory_space<vmem_shared>>
        %dma_wait3A_92 = arith.constant 0 : i32
        %dma_wait3A_93 = tpu.memref_slice %arg18[%add3A_67, %dma_wait3A_92] : memref<10000x128xf32, #tpu.memory_space<vmem_shared>> -> memref<32x128xf32, #tpu.memory_space<vmem_shared>>
        tpu.wait_dma2 semaphore(%run_scoped3A : memref<!tpu.dma_semaphore, #tpu.memory_space<semaphore_mem>>) src(%arg15 : memref<32x128xf32, #tpu.memory_space<vmem>>) dst(%dma_wait3A_93 : memref<32x128xf32, #tpu.memory_space<vmem_shared>>)
        tpu.yield
      }) : () -> ()
      %add3A_68 = arith.constant 416 : i32
      %add3A_69 = arith.addi %mul3A_9, %add3A_68 : i32
      "tpu.region"() ({
        %run_scoped3A = tpu.sem_alloc : memref<!tpu.dma_semaphore, #tpu.memory_space<semaphore_mem>>
        %dma_start3A = arith.constant 0 : i32
        %dma_start3A_88 = tpu.memref_slice %arg18[%add3A_69, %dma_start3A] : memref<10000x128xf32, #tpu.memory_space<vmem_shared>> -> memref<32x128xf32, #tpu.memory_space<vmem_shared>>
        %dma_start3A_89 = arith.constant 0 : i32
        %dma_start3A_90 = tpu.memref_slice %arg18[%add3A_69, %dma_start3A_89] : memref<10000x128xf32, #tpu.memory_space<vmem_shared>> -> memref<32x128xf32, #tpu.memory_space<vmem_shared>>
        tpu.enqueue_dma source(%arg15 : memref<32x128xf32, #tpu.memory_space<vmem>>) target(%dma_start3A_90 : memref<32x128xf32, #tpu.memory_space<vmem_shared>>) target_semaphore(%run_scoped3A : memref<!tpu.dma_semaphore, #tpu.memory_space<semaphore_mem>>)
        %dma_wait3A = arith.constant 0 : i32
        %dma_wait3A_91 = tpu.memref_slice %arg18[%add3A_69, %dma_wait3A] : memref<10000x128xf32, #tpu.memory_space<vmem_shared>> -> memref<32x128xf32, #tpu.memory_space<vmem_shared>>
        %dma_wait3A_92 = arith.constant 0 : i32
        %dma_wait3A_93 = tpu.memref_slice %arg18[%add3A_69, %dma_wait3A_92] : memref<10000x128xf32, #tpu.memory_space<vmem_shared>> -> memref<32x128xf32, #tpu.memory_space<vmem_shared>>
        tpu.wait_dma2 semaphore(%run_scoped3A : memref<!tpu.dma_semaphore, #tpu.memory_space<semaphore_mem>>) src(%arg15 : memref<32x128xf32, #tpu.memory_space<vmem>>) dst(%dma_wait3A_93 : memref<32x128xf32, #tpu.memory_space<vmem_shared>>)
        tpu.yield
      }) : () -> ()
      %add3A_70 = arith.constant 448 : i32
      %add3A_71 = arith.addi %mul3A_9, %add3A_70 : i32
      "tpu.region"() ({
        %run_scoped3A = tpu.sem_alloc : memref<!tpu.dma_semaphore, #tpu.memory_space<semaphore_mem>>
        %dma_start3A = arith.constant 0 : i32
        %dma_start3A_88 = tpu.memref_slice %arg18[%add3A_71, %dma_start3A] : memref<10000x128xf32, #tpu.memory_space<vmem_shared>> -> memref<32x128xf32, #tpu.memory_space<vmem_shared>>
        %dma_start3A_89 = arith.constant 0 : i32
        %dma_start3A_90 = tpu.memref_slice %arg18[%add3A_71, %dma_start3A_89] : memref<10000x128xf32, #tpu.memory_space<vmem_shared>> -> memref<32x128xf32, #tpu.memory_space<vmem_shared>>
        tpu.enqueue_dma source(%arg15 : memref<32x128xf32, #tpu.memory_space<vmem>>) target(%dma_start3A_90 : memref<32x128xf32, #tpu.memory_space<vmem_shared>>) target_semaphore(%run_scoped3A : memref<!tpu.dma_semaphore, #tpu.memory_space<semaphore_mem>>)
        %dma_wait3A = arith.constant 0 : i32
        %dma_wait3A_91 = tpu.memref_slice %arg18[%add3A_71, %dma_wait3A] : memref<10000x128xf32, #tpu.memory_space<vmem_shared>> -> memref<32x128xf32, #tpu.memory_space<vmem_shared>>
        %dma_wait3A_92 = arith.constant 0 : i32
        %dma_wait3A_93 = tpu.memref_slice %arg18[%add3A_71, %dma_wait3A_92] : memref<10000x128xf32, #tpu.memory_space<vmem_shared>> -> memref<32x128xf32, #tpu.memory_space<vmem_shared>>
        tpu.wait_dma2 semaphore(%run_scoped3A : memref<!tpu.dma_semaphore, #tpu.memory_space<semaphore_mem>>) src(%arg15 : memref<32x128xf32, #tpu.memory_space<vmem>>) dst(%dma_wait3A_93 : memref<32x128xf32, #tpu.memory_space<vmem_shared>>)
        tpu.yield
      }) : () -> ()
      %add3A_72 = arith.constant 480 : i32
      %add3A_73 = arith.addi %mul3A_9, %add3A_72 : i32
      "tpu.region"() ({
        %run_scoped3A = tpu.sem_alloc : memref<!tpu.dma_semaphore, #tpu.memory_space<semaphore_mem>>
        %dma_start3A = arith.constant 0 : i32
        %dma_start3A_88 = tpu.memref_slice %arg18[%add3A_73, %dma_start3A] : memref<10000x128xf32, #tpu.memory_space<vmem_shared>> -> memref<32x128xf32, #tpu.memory_space<vmem_shared>>
        %dma_start3A_89 = arith.constant 0 : i32
        %dma_start3A_90 = tpu.memref_slice %arg18[%add3A_73, %dma_start3A_89] : memref<10000x128xf32, #tpu.memory_space<vmem_shared>> -> memref<32x128xf32, #tpu.memory_space<vmem_shared>>
        tpu.enqueue_dma source(%arg15 : memref<32x128xf32, #tpu.memory_space<vmem>>) target(%dma_start3A_90 : memref<32x128xf32, #tpu.memory_space<vmem_shared>>) target_semaphore(%run_scoped3A : memref<!tpu.dma_semaphore, #tpu.memory_space<semaphore_mem>>)
        %dma_wait3A = arith.constant 0 : i32
        %dma_wait3A_91 = tpu.memref_slice %arg18[%add3A_73, %dma_wait3A] : memref<10000x128xf32, #tpu.memory_space<vmem_shared>> -> memref<32x128xf32, #tpu.memory_space<vmem_shared>>
        %dma_wait3A_92 = arith.constant 0 : i32
        %dma_wait3A_93 = tpu.memref_slice %arg18[%add3A_73, %dma_wait3A_92] : memref<10000x128xf32, #tpu.memory_space<vmem_shared>> -> memref<32x128xf32, #tpu.memory_space<vmem_shared>>
        tpu.wait_dma2 semaphore(%run_scoped3A : memref<!tpu.dma_semaphore, #tpu.memory_space<semaphore_mem>>) src(%arg15 : memref<32x128xf32, #tpu.memory_space<vmem>>) dst(%dma_wait3A_93 : memref<32x128xf32, #tpu.memory_space<vmem_shared>>)
        tpu.yield
      }) : () -> ()
      %add3A_74 = arith.constant 512 : i32
      %add3A_75 = arith.addi %mul3A_9, %add3A_74 : i32
      "tpu.region"() ({
        %run_scoped3A = tpu.sem_alloc : memref<!tpu.dma_semaphore, #tpu.memory_space<semaphore_mem>>
        %dma_start3A = arith.constant 0 : i32
        %dma_start3A_88 = tpu.memref_slice %arg18[%add3A_75, %dma_start3A] : memref<10000x128xf32, #tpu.memory_space<vmem_shared>> -> memref<32x128xf32, #tpu.memory_space<vmem_shared>>
        %dma_start3A_89 = arith.constant 0 : i32
        %dma_start3A_90 = tpu.memref_slice %arg18[%add3A_75, %dma_start3A_89] : memref<10000x128xf32, #tpu.memory_space<vmem_shared>> -> memref<32x128xf32, #tpu.memory_space<vmem_shared>>
        tpu.enqueue_dma source(%arg15 : memref<32x128xf32, #tpu.memory_space<vmem>>) target(%dma_start3A_90 : memref<32x128xf32, #tpu.memory_space<vmem_shared>>) target_semaphore(%run_scoped3A : memref<!tpu.dma_semaphore, #tpu.memory_space<semaphore_mem>>)
        %dma_wait3A = arith.constant 0 : i32
        %dma_wait3A_91 = tpu.memref_slice %arg18[%add3A_75, %dma_wait3A] : memref<10000x128xf32, #tpu.memory_space<vmem_shared>> -> memref<32x128xf32, #tpu.memory_space<vmem_shared>>
        %dma_wait3A_92 = arith.constant 0 : i32
        %dma_wait3A_93 = tpu.memref_slice %arg18[%add3A_75, %dma_wait3A_92] : memref<10000x128xf32, #tpu.memory_space<vmem_shared>> -> memref<32x128xf32, #tpu.memory_space<vmem_shared>>
        tpu.wait_dma2 semaphore(%run_scoped3A : memref<!tpu.dma_semaphore, #tpu.memory_space<semaphore_mem>>) src(%arg15 : memref<32x128xf32, #tpu.memory_space<vmem>>) dst(%dma_wait3A_93 : memref<32x128xf32, #tpu.memory_space<vmem_shared>>)
        tpu.yield
      }) : () -> ()
      %add3A_76 = arith.constant 544 : i32
      %add3A_77 = arith.addi %mul3A_9, %add3A_76 : i32
      "tpu.region"() ({
        %run_scoped3A = tpu.sem_alloc : memref<!tpu.dma_semaphore, #tpu.memory_space<semaphore_mem>>
        %dma_start3A = arith.constant 0 : i32
        %dma_start3A_88 = tpu.memref_slice %arg18[%add3A_77, %dma_start3A] : memref<10000x128xf32, #tpu.memory_space<vmem_shared>> -> memref<32x128xf32, #tpu.memory_space<vmem_shared>>
        %dma_start3A_89 = arith.constant 0 : i32
        %dma_start3A_90 = tpu.memref_slice %arg18[%add3A_77, %dma_start3A_89] : memref<10000x128xf32, #tpu.memory_space<vmem_shared>> -> memref<32x128xf32, #tpu.memory_space<vmem_shared>>
        tpu.enqueue_dma source(%arg15 : memref<32x128xf32, #tpu.memory_space<vmem>>) target(%dma_start3A_90 : memref<32x128xf32, #tpu.memory_space<vmem_shared>>) target_semaphore(%run_scoped3A : memref<!tpu.dma_semaphore, #tpu.memory_space<semaphore_mem>>)
        %dma_wait3A = arith.constant 0 : i32
        %dma_wait3A_91 = tpu.memref_slice %arg18[%add3A_77, %dma_wait3A] : memref<10000x128xf32, #tpu.memory_space<vmem_shared>> -> memref<32x128xf32, #tpu.memory_space<vmem_shared>>
        %dma_wait3A_92 = arith.constant 0 : i32
        %dma_wait3A_93 = tpu.memref_slice %arg18[%add3A_77, %dma_wait3A_92] : memref<10000x128xf32, #tpu.memory_space<vmem_shared>> -> memref<32x128xf32, #tpu.memory_space<vmem_shared>>
        tpu.wait_dma2 semaphore(%run_scoped3A : memref<!tpu.dma_semaphore, #tpu.memory_space<semaphore_mem>>) src(%arg15 : memref<32x128xf32, #tpu.memory_space<vmem>>) dst(%dma_wait3A_93 : memref<32x128xf32, #tpu.memory_space<vmem_shared>>)
        tpu.yield
      }) : () -> ()
      %add3A_78 = arith.constant 576 : i32
      %add3A_79 = arith.addi %mul3A_9, %add3A_78 : i32
      "tpu.region"() ({
        %run_scoped3A = tpu.sem_alloc : memref<!tpu.dma_semaphore, #tpu.memory_space<semaphore_mem>>
        %dma_start3A = arith.constant 0 : i32
        %dma_start3A_88 = tpu.memref_slice %arg18[%add3A_79, %dma_start3A] : memref<10000x128xf32, #tpu.memory_space<vmem_shared>> -> memref<32x128xf32, #tpu.memory_space<vmem_shared>>
        %dma_start3A_89 = arith.constant 0 : i32
        %dma_start3A_90 = tpu.memref_slice %arg18[%add3A_79, %dma_start3A_89] : memref<10000x128xf32, #tpu.memory_space<vmem_shared>> -> memref<32x128xf32, #tpu.memory_space<vmem_shared>>
        tpu.enqueue_dma source(%arg15 : memref<32x128xf32, #tpu.memory_space<vmem>>) target(%dma_start3A_90 : memref<32x128xf32, #tpu.memory_space<vmem_shared>>) target_semaphore(%run_scoped3A : memref<!tpu.dma_semaphore, #tpu.memory_space<semaphore_mem>>)
        %dma_wait3A = arith.constant 0 : i32
        %dma_wait3A_91 = tpu.memref_slice %arg18[%add3A_79, %dma_wait3A] : memref<10000x128xf32, #tpu.memory_space<vmem_shared>> -> memref<32x128xf32, #tpu.memory_space<vmem_shared>>
        %dma_wait3A_92 = arith.constant 0 : i32
        %dma_wait3A_93 = tpu.memref_slice %arg18[%add3A_79, %dma_wait3A_92] : memref<10000x128xf32, #tpu.memory_space<vmem_shared>> -> memref<32x128xf32, #tpu.memory_space<vmem_shared>>
        tpu.wait_dma2 semaphore(%run_scoped3A : memref<!tpu.dma_semaphore, #tpu.memory_space<semaphore_mem>>) src(%arg15 : memref<32x128xf32, #tpu.memory_space<vmem>>) dst(%dma_wait3A_93 : memref<32x128xf32, #tpu.memory_space<vmem_shared>>)
        tpu.yield
      }) : () -> ()
      %add3A_80 = arith.constant 608 : i32
      %add3A_81 = arith.addi %mul3A_9, %add3A_80 : i32
      "tpu.region"() ({
        %run_scoped3A = tpu.sem_alloc : memref<!tpu.dma_semaphore, #tpu.memory_space<semaphore_mem>>
        %dma_start3A = arith.constant 0 : i32
        %dma_start3A_88 = tpu.memref_slice %arg18[%add3A_81, %dma_start3A] : memref<10000x128xf32, #tpu.memory_space<vmem_shared>> -> memref<32x128xf32, #tpu.memory_space<vmem_shared>>
        %dma_start3A_89 = arith.constant 0 : i32
        %dma_start3A_90 = tpu.memref_slice %arg18[%add3A_81, %dma_start3A_89] : memref<10000x128xf32, #tpu.memory_space<vmem_shared>> -> memref<32x128xf32, #tpu.memory_space<vmem_shared>>
        tpu.enqueue_dma source(%arg15 : memref<32x128xf32, #tpu.memory_space<vmem>>) target(%dma_start3A_90 : memref<32x128xf32, #tpu.memory_space<vmem_shared>>) target_semaphore(%run_scoped3A : memref<!tpu.dma_semaphore, #tpu.memory_space<semaphore_mem>>)
        %dma_wait3A = arith.constant 0 : i32
        %dma_wait3A_91 = tpu.memref_slice %arg18[%add3A_81, %dma_wait3A] : memref<10000x128xf32, #tpu.memory_space<vmem_shared>> -> memref<32x128xf32, #tpu.memory_space<vmem_shared>>
        %dma_wait3A_92 = arith.constant 0 : i32
        %dma_wait3A_93 = tpu.memref_slice %arg18[%add3A_81, %dma_wait3A_92] : memref<10000x128xf32, #tpu.memory_space<vmem_shared>> -> memref<32x128xf32, #tpu.memory_space<vmem_shared>>
        tpu.wait_dma2 semaphore(%run_scoped3A : memref<!tpu.dma_semaphore, #tpu.memory_space<semaphore_mem>>) src(%arg15 : memref<32x128xf32, #tpu.memory_space<vmem>>) dst(%dma_wait3A_93 : memref<32x128xf32, #tpu.memory_space<vmem_shared>>)
        tpu.yield
      }) : () -> ()
      %add3A_82 = arith.constant 0 : i32
      %add3A_83 = arith.addi %mul3A_11, %add3A_82 : i32
      "tpu.region"() ({
        %run_scoped3A = tpu.sem_alloc : memref<!tpu.dma_semaphore, #tpu.memory_space<semaphore_mem>>
        %dma_start3A = arith.constant 0 : i32
        %dma_start3A_88 = tpu.memref_slice %arg19[%add3A_83, %dma_start3A] : memref<1256x128xf32, #tpu.memory_space<vmem_shared>> -> memref<32x128xf32, #tpu.memory_space<vmem_shared>>
        %dma_start3A_89 = arith.constant 0 : i32
        %dma_start3A_90 = tpu.memref_slice %arg19[%add3A_83, %dma_start3A_89] : memref<1256x128xf32, #tpu.memory_space<vmem_shared>> -> memref<32x128xf32, #tpu.memory_space<vmem_shared>>
        tpu.enqueue_dma source(%arg16 : memref<32x128xf32, #tpu.memory_space<vmem>>) target(%dma_start3A_90 : memref<32x128xf32, #tpu.memory_space<vmem_shared>>) target_semaphore(%run_scoped3A : memref<!tpu.dma_semaphore, #tpu.memory_space<semaphore_mem>>)
        %dma_wait3A = arith.constant 0 : i32
        %dma_wait3A_91 = tpu.memref_slice %arg19[%add3A_83, %dma_wait3A] : memref<1256x128xf32, #tpu.memory_space<vmem_shared>> -> memref<32x128xf32, #tpu.memory_space<vmem_shared>>
        %dma_wait3A_92 = arith.constant 0 : i32
        %dma_wait3A_93 = tpu.memref_slice %arg19[%add3A_83, %dma_wait3A_92] : memref<1256x128xf32, #tpu.memory_space<vmem_shared>> -> memref<32x128xf32, #tpu.memory_space<vmem_shared>>
        tpu.wait_dma2 semaphore(%run_scoped3A : memref<!tpu.dma_semaphore, #tpu.memory_space<semaphore_mem>>) src(%arg16 : memref<32x128xf32, #tpu.memory_space<vmem>>) dst(%dma_wait3A_93 : memref<32x128xf32, #tpu.memory_space<vmem_shared>>)
        tpu.yield
      }) : () -> ()
      %add3A_84 = arith.constant 32 : i32
      %add3A_85 = arith.addi %mul3A_11, %add3A_84 : i32
      "tpu.region"() ({
        %run_scoped3A = tpu.sem_alloc : memref<!tpu.dma_semaphore, #tpu.memory_space<semaphore_mem>>
        %dma_start3A = arith.constant 0 : i32
        %dma_start3A_88 = tpu.memref_slice %arg19[%add3A_85, %dma_start3A] : memref<1256x128xf32, #tpu.memory_space<vmem_shared>> -> memref<32x128xf32, #tpu.memory_space<vmem_shared>>
        %dma_start3A_89 = arith.constant 0 : i32
        %dma_start3A_90 = tpu.memref_slice %arg19[%add3A_85, %dma_start3A_89] : memref<1256x128xf32, #tpu.memory_space<vmem_shared>> -> memref<32x128xf32, #tpu.memory_space<vmem_shared>>
        tpu.enqueue_dma source(%arg16 : memref<32x128xf32, #tpu.memory_space<vmem>>) target(%dma_start3A_90 : memref<32x128xf32, #tpu.memory_space<vmem_shared>>) target_semaphore(%run_scoped3A : memref<!tpu.dma_semaphore, #tpu.memory_space<semaphore_mem>>)
        %dma_wait3A = arith.constant 0 : i32
        %dma_wait3A_91 = tpu.memref_slice %arg19[%add3A_85, %dma_wait3A] : memref<1256x128xf32, #tpu.memory_space<vmem_shared>> -> memref<32x128xf32, #tpu.memory_space<vmem_shared>>
        %dma_wait3A_92 = arith.constant 0 : i32
        %dma_wait3A_93 = tpu.memref_slice %arg19[%add3A_85, %dma_wait3A_92] : memref<1256x128xf32, #tpu.memory_space<vmem_shared>> -> memref<32x128xf32, #tpu.memory_space<vmem_shared>>
        tpu.wait_dma2 semaphore(%run_scoped3A : memref<!tpu.dma_semaphore, #tpu.memory_space<semaphore_mem>>) src(%arg16 : memref<32x128xf32, #tpu.memory_space<vmem>>) dst(%dma_wait3A_93 : memref<32x128xf32, #tpu.memory_space<vmem_shared>>)
        tpu.yield
      }) : () -> ()
      %add3A_86 = arith.constant 64 : i32
      %add3A_87 = arith.addi %mul3A_11, %add3A_86 : i32
      "tpu.region"() ({
        %run_scoped3A = tpu.sem_alloc : memref<!tpu.dma_semaphore, #tpu.memory_space<semaphore_mem>>
        %dma_start3A = arith.constant 0 : i32
        %dma_start3A_88 = arith.constant 0 : i32
        %dma_start3A_89 = tpu.memref_slice %arg16[%dma_start3A, %dma_start3A_88] : memref<32x128xf32, #tpu.memory_space<vmem>> -> memref<16x128xf32, #tpu.memory_space<vmem>>
        %dma_start3A_90 = arith.constant 0 : i32
        %dma_start3A_91 = tpu.memref_slice %arg19[%add3A_87, %dma_start3A_90] : memref<1256x128xf32, #tpu.memory_space<vmem_shared>> -> memref<16x128xf32, #tpu.memory_space<vmem_shared>>
        %dma_start3A_92 = arith.constant 0 : i32
        %dma_start3A_93 = tpu.memref_slice %arg19[%add3A_87, %dma_start3A_92] : memref<1256x128xf32, #tpu.memory_space<vmem_shared>> -> memref<16x128xf32, #tpu.memory_space<vmem_shared>>
        %dma_start3A_94 = arith.constant 0 : i32
        %dma_start3A_95 = arith.constant 0 : i32
        %dma_start3A_96 = tpu.memref_slice %arg16[%dma_start3A_94, %dma_start3A_95] : memref<32x128xf32, #tpu.memory_space<vmem>> -> memref<16x128xf32, #tpu.memory_space<vmem>>
        tpu.enqueue_dma source(%dma_start3A_96 : memref<16x128xf32, #tpu.memory_space<vmem>>) target(%dma_start3A_93 : memref<16x128xf32, #tpu.memory_space<vmem_shared>>) target_semaphore(%run_scoped3A : memref<!tpu.dma_semaphore, #tpu.memory_space<semaphore_mem>>)
        %dma_wait3A = arith.constant 0 : i32
        %dma_wait3A_97 = arith.constant 0 : i32
        %dma_wait3A_98 = tpu.memref_slice %arg16[%dma_wait3A, %dma_wait3A_97] : memref<32x128xf32, #tpu.memory_space<vmem>> -> memref<16x128xf32, #tpu.memory_space<vmem>>
        %dma_wait3A_99 = arith.constant 0 : i32
        %dma_wait3A_100 = tpu.memref_slice %arg19[%add3A_87, %dma_wait3A_99] : memref<1256x128xf32, #tpu.memory_space<vmem_shared>> -> memref<16x128xf32, #tpu.memory_space<vmem_shared>>
        %dma_wait3A_101 = arith.constant 0 : i32
        %dma_wait3A_102 = tpu.memref_slice %arg19[%add3A_87, %dma_wait3A_101] : memref<1256x128xf32, #tpu.memory_space<vmem_shared>> -> memref<16x128xf32, #tpu.memory_space<vmem_shared>>
        %dma_wait3A_103 = arith.constant 0 : i32
        %dma_wait3A_104 = arith.constant 0 : i32
        %dma_wait3A_105 = tpu.memref_slice %arg16[%dma_wait3A_103, %dma_wait3A_104] : memref<32x128xf32, #tpu.memory_space<vmem>> -> memref<16x128xf32, #tpu.memory_space<vmem>>
        tpu.wait_dma2 semaphore(%run_scoped3A : memref<!tpu.dma_semaphore, #tpu.memory_space<semaphore_mem>>) src(%dma_wait3A_105 : memref<16x128xf32, #tpu.memory_space<vmem>>) dst(%dma_wait3A_102 : memref<16x128xf32, #tpu.memory_space<vmem_shared>>)
        tpu.yield
      }) : () -> ()
    } else {
    }
    %eq3A = arith.constant 15 : i32
    %eq3A_20 = arith.cmpi eq, %arg1, %eq3A : i32
    %convert_element_type3A_21 = arith.extui %eq3A_20 : i1 to i32
    %cond3A_22 = arith.constant 0 : i32
    %cond3A_23 = arith.cmpi ne, %convert_element_type3A_21, %cond3A_22 : i32
    scf.if %cond3A_23 {
      %add3A_42 = arith.constant 0 : i32
      %add3A_43 = arith.addi %mul3A_9, %add3A_42 : i32
      "tpu.region"() ({
        %run_scoped3A = tpu.sem_alloc : memref<!tpu.dma_semaphore, #tpu.memory_space<semaphore_mem>>
        %dma_start3A = arith.constant 0 : i32
        %dma_start3A_70 = tpu.memref_slice %arg18[%add3A_43, %dma_start3A] : memref<10000x128xf32, #tpu.memory_space<vmem_shared>> -> memref<32x128xf32, #tpu.memory_space<vmem_shared>>
        %dma_start3A_71 = arith.constant 0 : i32
        %dma_start3A_72 = tpu.memref_slice %arg18[%add3A_43, %dma_start3A_71] : memref<10000x128xf32, #tpu.memory_space<vmem_shared>> -> memref<32x128xf32, #tpu.memory_space<vmem_shared>>
        tpu.enqueue_dma source(%arg15 : memref<32x128xf32, #tpu.memory_space<vmem>>) target(%dma_start3A_72 : memref<32x128xf32, #tpu.memory_space<vmem_shared>>) target_semaphore(%run_scoped3A : memref<!tpu.dma_semaphore, #tpu.memory_space<semaphore_mem>>)
        %dma_wait3A = arith.constant 0 : i32
        %dma_wait3A_73 = tpu.memref_slice %arg18[%add3A_43, %dma_wait3A] : memref<10000x128xf32, #tpu.memory_space<vmem_shared>> -> memref<32x128xf32, #tpu.memory_space<vmem_shared>>
        %dma_wait3A_74 = arith.constant 0 : i32
        %dma_wait3A_75 = tpu.memref_slice %arg18[%add3A_43, %dma_wait3A_74] : memref<10000x128xf32, #tpu.memory_space<vmem_shared>> -> memref<32x128xf32, #tpu.memory_space<vmem_shared>>
        tpu.wait_dma2 semaphore(%run_scoped3A : memref<!tpu.dma_semaphore, #tpu.memory_space<semaphore_mem>>) src(%arg15 : memref<32x128xf32, #tpu.memory_space<vmem>>) dst(%dma_wait3A_75 : memref<32x128xf32, #tpu.memory_space<vmem_shared>>)
        tpu.yield
      }) : () -> ()
      %add3A_44 = arith.constant 32 : i32
      %add3A_45 = arith.addi %mul3A_9, %add3A_44 : i32
      "tpu.region"() ({
        %run_scoped3A = tpu.sem_alloc : memref<!tpu.dma_semaphore, #tpu.memory_space<semaphore_mem>>
        %dma_start3A = arith.constant 0 : i32
        %dma_start3A_70 = tpu.memref_slice %arg18[%add3A_45, %dma_start3A] : memref<10000x128xf32, #tpu.memory_space<vmem_shared>> -> memref<32x128xf32, #tpu.memory_space<vmem_shared>>
        %dma_start3A_71 = arith.constant 0 : i32
        %dma_start3A_72 = tpu.memref_slice %arg18[%add3A_45, %dma_start3A_71] : memref<10000x128xf32, #tpu.memory_space<vmem_shared>> -> memref<32x128xf32, #tpu.memory_space<vmem_shared>>
        tpu.enqueue_dma source(%arg15 : memref<32x128xf32, #tpu.memory_space<vmem>>) target(%dma_start3A_72 : memref<32x128xf32, #tpu.memory_space<vmem_shared>>) target_semaphore(%run_scoped3A : memref<!tpu.dma_semaphore, #tpu.memory_space<semaphore_mem>>)
        %dma_wait3A = arith.constant 0 : i32
        %dma_wait3A_73 = tpu.memref_slice %arg18[%add3A_45, %dma_wait3A] : memref<10000x128xf32, #tpu.memory_space<vmem_shared>> -> memref<32x128xf32, #tpu.memory_space<vmem_shared>>
        %dma_wait3A_74 = arith.constant 0 : i32
        %dma_wait3A_75 = tpu.memref_slice %arg18[%add3A_45, %dma_wait3A_74] : memref<10000x128xf32, #tpu.memory_space<vmem_shared>> -> memref<32x128xf32, #tpu.memory_space<vmem_shared>>
        tpu.wait_dma2 semaphore(%run_scoped3A : memref<!tpu.dma_semaphore, #tpu.memory_space<semaphore_mem>>) src(%arg15 : memref<32x128xf32, #tpu.memory_space<vmem>>) dst(%dma_wait3A_75 : memref<32x128xf32, #tpu.memory_space<vmem_shared>>)
        tpu.yield
      }) : () -> ()
      %add3A_46 = arith.constant 64 : i32
      %add3A_47 = arith.addi %mul3A_9, %add3A_46 : i32
      "tpu.region"() ({
        %run_scoped3A = tpu.sem_alloc : memref<!tpu.dma_semaphore, #tpu.memory_space<semaphore_mem>>
        %dma_start3A = arith.constant 0 : i32
        %dma_start3A_70 = tpu.memref_slice %arg18[%add3A_47, %dma_start3A] : memref<10000x128xf32, #tpu.memory_space<vmem_shared>> -> memref<32x128xf32, #tpu.memory_space<vmem_shared>>
        %dma_start3A_71 = arith.constant 0 : i32
        %dma_start3A_72 = tpu.memref_slice %arg18[%add3A_47, %dma_start3A_71] : memref<10000x128xf32, #tpu.memory_space<vmem_shared>> -> memref<32x128xf32, #tpu.memory_space<vmem_shared>>
        tpu.enqueue_dma source(%arg15 : memref<32x128xf32, #tpu.memory_space<vmem>>) target(%dma_start3A_72 : memref<32x128xf32, #tpu.memory_space<vmem_shared>>) target_semaphore(%run_scoped3A : memref<!tpu.dma_semaphore, #tpu.memory_space<semaphore_mem>>)
        %dma_wait3A = arith.constant 0 : i32
        %dma_wait3A_73 = tpu.memref_slice %arg18[%add3A_47, %dma_wait3A] : memref<10000x128xf32, #tpu.memory_space<vmem_shared>> -> memref<32x128xf32, #tpu.memory_space<vmem_shared>>
        %dma_wait3A_74 = arith.constant 0 : i32
        %dma_wait3A_75 = tpu.memref_slice %arg18[%add3A_47, %dma_wait3A_74] : memref<10000x128xf32, #tpu.memory_space<vmem_shared>> -> memref<32x128xf32, #tpu.memory_space<vmem_shared>>
        tpu.wait_dma2 semaphore(%run_scoped3A : memref<!tpu.dma_semaphore, #tpu.memory_space<semaphore_mem>>) src(%arg15 : memref<32x128xf32, #tpu.memory_space<vmem>>) dst(%dma_wait3A_75 : memref<32x128xf32, #tpu.memory_space<vmem_shared>>)
        tpu.yield
      }) : () -> ()
      %add3A_48 = arith.constant 96 : i32
      %add3A_49 = arith.addi %mul3A_9, %add3A_48 : i32
      "tpu.region"() ({
        %run_scoped3A = tpu.sem_alloc : memref<!tpu.dma_semaphore, #tpu.memory_space<semaphore_mem>>
        %dma_start3A = arith.constant 0 : i32
        %dma_start3A_70 = tpu.memref_slice %arg18[%add3A_49, %dma_start3A] : memref<10000x128xf32, #tpu.memory_space<vmem_shared>> -> memref<32x128xf32, #tpu.memory_space<vmem_shared>>
        %dma_start3A_71 = arith.constant 0 : i32
        %dma_start3A_72 = tpu.memref_slice %arg18[%add3A_49, %dma_start3A_71] : memref<10000x128xf32, #tpu.memory_space<vmem_shared>> -> memref<32x128xf32, #tpu.memory_space<vmem_shared>>
        tpu.enqueue_dma source(%arg15 : memref<32x128xf32, #tpu.memory_space<vmem>>) target(%dma_start3A_72 : memref<32x128xf32, #tpu.memory_space<vmem_shared>>) target_semaphore(%run_scoped3A : memref<!tpu.dma_semaphore, #tpu.memory_space<semaphore_mem>>)
        %dma_wait3A = arith.constant 0 : i32
        %dma_wait3A_73 = tpu.memref_slice %arg18[%add3A_49, %dma_wait3A] : memref<10000x128xf32, #tpu.memory_space<vmem_shared>> -> memref<32x128xf32, #tpu.memory_space<vmem_shared>>
        %dma_wait3A_74 = arith.constant 0 : i32
        %dma_wait3A_75 = tpu.memref_slice %arg18[%add3A_49, %dma_wait3A_74] : memref<10000x128xf32, #tpu.memory_space<vmem_shared>> -> memref<32x128xf32, #tpu.memory_space<vmem_shared>>
        tpu.wait_dma2 semaphore(%run_scoped3A : memref<!tpu.dma_semaphore, #tpu.memory_space<semaphore_mem>>) src(%arg15 : memref<32x128xf32, #tpu.memory_space<vmem>>) dst(%dma_wait3A_75 : memref<32x128xf32, #tpu.memory_space<vmem_shared>>)
        tpu.yield
      }) : () -> ()
      %add3A_50 = arith.constant 128 : i32
      %add3A_51 = arith.addi %mul3A_9, %add3A_50 : i32
      "tpu.region"() ({
        %run_scoped3A = tpu.sem_alloc : memref<!tpu.dma_semaphore, #tpu.memory_space<semaphore_mem>>
        %dma_start3A = arith.constant 0 : i32
        %dma_start3A_70 = tpu.memref_slice %arg18[%add3A_51, %dma_start3A] : memref<10000x128xf32, #tpu.memory_space<vmem_shared>> -> memref<32x128xf32, #tpu.memory_space<vmem_shared>>
        %dma_start3A_71 = arith.constant 0 : i32
        %dma_start3A_72 = tpu.memref_slice %arg18[%add3A_51, %dma_start3A_71] : memref<10000x128xf32, #tpu.memory_space<vmem_shared>> -> memref<32x128xf32, #tpu.memory_space<vmem_shared>>
        tpu.enqueue_dma source(%arg15 : memref<32x128xf32, #tpu.memory_space<vmem>>) target(%dma_start3A_72 : memref<32x128xf32, #tpu.memory_space<vmem_shared>>) target_semaphore(%run_scoped3A : memref<!tpu.dma_semaphore, #tpu.memory_space<semaphore_mem>>)
        %dma_wait3A = arith.constant 0 : i32
        %dma_wait3A_73 = tpu.memref_slice %arg18[%add3A_51, %dma_wait3A] : memref<10000x128xf32, #tpu.memory_space<vmem_shared>> -> memref<32x128xf32, #tpu.memory_space<vmem_shared>>
        %dma_wait3A_74 = arith.constant 0 : i32
        %dma_wait3A_75 = tpu.memref_slice %arg18[%add3A_51, %dma_wait3A_74] : memref<10000x128xf32, #tpu.memory_space<vmem_shared>> -> memref<32x128xf32, #tpu.memory_space<vmem_shared>>
        tpu.wait_dma2 semaphore(%run_scoped3A : memref<!tpu.dma_semaphore, #tpu.memory_space<semaphore_mem>>) src(%arg15 : memref<32x128xf32, #tpu.memory_space<vmem>>) dst(%dma_wait3A_75 : memref<32x128xf32, #tpu.memory_space<vmem_shared>>)
        tpu.yield
      }) : () -> ()
      %add3A_52 = arith.constant 160 : i32
      %add3A_53 = arith.addi %mul3A_9, %add3A_52 : i32
      "tpu.region"() ({
        %run_scoped3A = tpu.sem_alloc : memref<!tpu.dma_semaphore, #tpu.memory_space<semaphore_mem>>
        %dma_start3A = arith.constant 0 : i32
        %dma_start3A_70 = tpu.memref_slice %arg18[%add3A_53, %dma_start3A] : memref<10000x128xf32, #tpu.memory_space<vmem_shared>> -> memref<32x128xf32, #tpu.memory_space<vmem_shared>>
        %dma_start3A_71 = arith.constant 0 : i32
        %dma_start3A_72 = tpu.memref_slice %arg18[%add3A_53, %dma_start3A_71] : memref<10000x128xf32, #tpu.memory_space<vmem_shared>> -> memref<32x128xf32, #tpu.memory_space<vmem_shared>>
        tpu.enqueue_dma source(%arg15 : memref<32x128xf32, #tpu.memory_space<vmem>>) target(%dma_start3A_72 : memref<32x128xf32, #tpu.memory_space<vmem_shared>>) target_semaphore(%run_scoped3A : memref<!tpu.dma_semaphore, #tpu.memory_space<semaphore_mem>>)
        %dma_wait3A = arith.constant 0 : i32
        %dma_wait3A_73 = tpu.memref_slice %arg18[%add3A_53, %dma_wait3A] : memref<10000x128xf32, #tpu.memory_space<vmem_shared>> -> memref<32x128xf32, #tpu.memory_space<vmem_shared>>
        %dma_wait3A_74 = arith.constant 0 : i32
        %dma_wait3A_75 = tpu.memref_slice %arg18[%add3A_53, %dma_wait3A_74] : memref<10000x128xf32, #tpu.memory_space<vmem_shared>> -> memref<32x128xf32, #tpu.memory_space<vmem_shared>>
        tpu.wait_dma2 semaphore(%run_scoped3A : memref<!tpu.dma_semaphore, #tpu.memory_space<semaphore_mem>>) src(%arg15 : memref<32x128xf32, #tpu.memory_space<vmem>>) dst(%dma_wait3A_75 : memref<32x128xf32, #tpu.memory_space<vmem_shared>>)
        tpu.yield
      }) : () -> ()
      %add3A_54 = arith.constant 192 : i32
      %add3A_55 = arith.addi %mul3A_9, %add3A_54 : i32
      "tpu.region"() ({
        %run_scoped3A = tpu.sem_alloc : memref<!tpu.dma_semaphore, #tpu.memory_space<semaphore_mem>>
        %dma_start3A = arith.constant 0 : i32
        %dma_start3A_70 = tpu.memref_slice %arg18[%add3A_55, %dma_start3A] : memref<10000x128xf32, #tpu.memory_space<vmem_shared>> -> memref<32x128xf32, #tpu.memory_space<vmem_shared>>
        %dma_start3A_71 = arith.constant 0 : i32
        %dma_start3A_72 = tpu.memref_slice %arg18[%add3A_55, %dma_start3A_71] : memref<10000x128xf32, #tpu.memory_space<vmem_shared>> -> memref<32x128xf32, #tpu.memory_space<vmem_shared>>
        tpu.enqueue_dma source(%arg15 : memref<32x128xf32, #tpu.memory_space<vmem>>) target(%dma_start3A_72 : memref<32x128xf32, #tpu.memory_space<vmem_shared>>) target_semaphore(%run_scoped3A : memref<!tpu.dma_semaphore, #tpu.memory_space<semaphore_mem>>)
        %dma_wait3A = arith.constant 0 : i32
        %dma_wait3A_73 = tpu.memref_slice %arg18[%add3A_55, %dma_wait3A] : memref<10000x128xf32, #tpu.memory_space<vmem_shared>> -> memref<32x128xf32, #tpu.memory_space<vmem_shared>>
        %dma_wait3A_74 = arith.constant 0 : i32
        %dma_wait3A_75 = tpu.memref_slice %arg18[%add3A_55, %dma_wait3A_74] : memref<10000x128xf32, #tpu.memory_space<vmem_shared>> -> memref<32x128xf32, #tpu.memory_space<vmem_shared>>
        tpu.wait_dma2 semaphore(%run_scoped3A : memref<!tpu.dma_semaphore, #tpu.memory_space<semaphore_mem>>) src(%arg15 : memref<32x128xf32, #tpu.memory_space<vmem>>) dst(%dma_wait3A_75 : memref<32x128xf32, #tpu.memory_space<vmem_shared>>)
        tpu.yield
      }) : () -> ()
      %add3A_56 = arith.constant 224 : i32
      %add3A_57 = arith.addi %mul3A_9, %add3A_56 : i32
      "tpu.region"() ({
        %run_scoped3A = tpu.sem_alloc : memref<!tpu.dma_semaphore, #tpu.memory_space<semaphore_mem>>
        %dma_start3A = arith.constant 0 : i32
        %dma_start3A_70 = tpu.memref_slice %arg18[%add3A_57, %dma_start3A] : memref<10000x128xf32, #tpu.memory_space<vmem_shared>> -> memref<32x128xf32, #tpu.memory_space<vmem_shared>>
        %dma_start3A_71 = arith.constant 0 : i32
        %dma_start3A_72 = tpu.memref_slice %arg18[%add3A_57, %dma_start3A_71] : memref<10000x128xf32, #tpu.memory_space<vmem_shared>> -> memref<32x128xf32, #tpu.memory_space<vmem_shared>>
        tpu.enqueue_dma source(%arg15 : memref<32x128xf32, #tpu.memory_space<vmem>>) target(%dma_start3A_72 : memref<32x128xf32, #tpu.memory_space<vmem_shared>>) target_semaphore(%run_scoped3A : memref<!tpu.dma_semaphore, #tpu.memory_space<semaphore_mem>>)
        %dma_wait3A = arith.constant 0 : i32
        %dma_wait3A_73 = tpu.memref_slice %arg18[%add3A_57, %dma_wait3A] : memref<10000x128xf32, #tpu.memory_space<vmem_shared>> -> memref<32x128xf32, #tpu.memory_space<vmem_shared>>
        %dma_wait3A_74 = arith.constant 0 : i32
        %dma_wait3A_75 = tpu.memref_slice %arg18[%add3A_57, %dma_wait3A_74] : memref<10000x128xf32, #tpu.memory_space<vmem_shared>> -> memref<32x128xf32, #tpu.memory_space<vmem_shared>>
        tpu.wait_dma2 semaphore(%run_scoped3A : memref<!tpu.dma_semaphore, #tpu.memory_space<semaphore_mem>>) src(%arg15 : memref<32x128xf32, #tpu.memory_space<vmem>>) dst(%dma_wait3A_75 : memref<32x128xf32, #tpu.memory_space<vmem_shared>>)
        tpu.yield
      }) : () -> ()
      %add3A_58 = arith.constant 256 : i32
      %add3A_59 = arith.addi %mul3A_9, %add3A_58 : i32
      "tpu.region"() ({
        %run_scoped3A = tpu.sem_alloc : memref<!tpu.dma_semaphore, #tpu.memory_space<semaphore_mem>>
        %dma_start3A = arith.constant 0 : i32
        %dma_start3A_70 = tpu.memref_slice %arg18[%add3A_59, %dma_start3A] : memref<10000x128xf32, #tpu.memory_space<vmem_shared>> -> memref<32x128xf32, #tpu.memory_space<vmem_shared>>
        %dma_start3A_71 = arith.constant 0 : i32
        %dma_start3A_72 = tpu.memref_slice %arg18[%add3A_59, %dma_start3A_71] : memref<10000x128xf32, #tpu.memory_space<vmem_shared>> -> memref<32x128xf32, #tpu.memory_space<vmem_shared>>
        tpu.enqueue_dma source(%arg15 : memref<32x128xf32, #tpu.memory_space<vmem>>) target(%dma_start3A_72 : memref<32x128xf32, #tpu.memory_space<vmem_shared>>) target_semaphore(%run_scoped3A : memref<!tpu.dma_semaphore, #tpu.memory_space<semaphore_mem>>)
        %dma_wait3A = arith.constant 0 : i32
        %dma_wait3A_73 = tpu.memref_slice %arg18[%add3A_59, %dma_wait3A] : memref<10000x128xf32, #tpu.memory_space<vmem_shared>> -> memref<32x128xf32, #tpu.memory_space<vmem_shared>>
        %dma_wait3A_74 = arith.constant 0 : i32
        %dma_wait3A_75 = tpu.memref_slice %arg18[%add3A_59, %dma_wait3A_74] : memref<10000x128xf32, #tpu.memory_space<vmem_shared>> -> memref<32x128xf32, #tpu.memory_space<vmem_shared>>
        tpu.wait_dma2 semaphore(%run_scoped3A : memref<!tpu.dma_semaphore, #tpu.memory_space<semaphore_mem>>) src(%arg15 : memref<32x128xf32, #tpu.memory_space<vmem>>) dst(%dma_wait3A_75 : memref<32x128xf32, #tpu.memory_space<vmem_shared>>)
        tpu.yield
      }) : () -> ()
      %add3A_60 = arith.constant 288 : i32
      %add3A_61 = arith.addi %mul3A_9, %add3A_60 : i32
      "tpu.region"() ({
        %run_scoped3A = tpu.sem_alloc : memref<!tpu.dma_semaphore, #tpu.memory_space<semaphore_mem>>
        %dma_start3A = arith.constant 0 : i32
        %dma_start3A_70 = tpu.memref_slice %arg18[%add3A_61, %dma_start3A] : memref<10000x128xf32, #tpu.memory_space<vmem_shared>> -> memref<32x128xf32, #tpu.memory_space<vmem_shared>>
        %dma_start3A_71 = arith.constant 0 : i32
        %dma_start3A_72 = tpu.memref_slice %arg18[%add3A_61, %dma_start3A_71] : memref<10000x128xf32, #tpu.memory_space<vmem_shared>> -> memref<32x128xf32, #tpu.memory_space<vmem_shared>>
        tpu.enqueue_dma source(%arg15 : memref<32x128xf32, #tpu.memory_space<vmem>>) target(%dma_start3A_72 : memref<32x128xf32, #tpu.memory_space<vmem_shared>>) target_semaphore(%run_scoped3A : memref<!tpu.dma_semaphore, #tpu.memory_space<semaphore_mem>>)
        %dma_wait3A = arith.constant 0 : i32
        %dma_wait3A_73 = tpu.memref_slice %arg18[%add3A_61, %dma_wait3A] : memref<10000x128xf32, #tpu.memory_space<vmem_shared>> -> memref<32x128xf32, #tpu.memory_space<vmem_shared>>
        %dma_wait3A_74 = arith.constant 0 : i32
        %dma_wait3A_75 = tpu.memref_slice %arg18[%add3A_61, %dma_wait3A_74] : memref<10000x128xf32, #tpu.memory_space<vmem_shared>> -> memref<32x128xf32, #tpu.memory_space<vmem_shared>>
        tpu.wait_dma2 semaphore(%run_scoped3A : memref<!tpu.dma_semaphore, #tpu.memory_space<semaphore_mem>>) src(%arg15 : memref<32x128xf32, #tpu.memory_space<vmem>>) dst(%dma_wait3A_75 : memref<32x128xf32, #tpu.memory_space<vmem_shared>>)
        tpu.yield
      }) : () -> ()
      %add3A_62 = arith.constant 320 : i32
      %add3A_63 = arith.addi %mul3A_9, %add3A_62 : i32
      "tpu.region"() ({
        %run_scoped3A = tpu.sem_alloc : memref<!tpu.dma_semaphore, #tpu.memory_space<semaphore_mem>>
        %dma_start3A = arith.constant 0 : i32
        %dma_start3A_70 = tpu.memref_slice %arg18[%add3A_63, %dma_start3A] : memref<10000x128xf32, #tpu.memory_space<vmem_shared>> -> memref<32x128xf32, #tpu.memory_space<vmem_shared>>
        %dma_start3A_71 = arith.constant 0 : i32
        %dma_start3A_72 = tpu.memref_slice %arg18[%add3A_63, %dma_start3A_71] : memref<10000x128xf32, #tpu.memory_space<vmem_shared>> -> memref<32x128xf32, #tpu.memory_space<vmem_shared>>
        tpu.enqueue_dma source(%arg15 : memref<32x128xf32, #tpu.memory_space<vmem>>) target(%dma_start3A_72 : memref<32x128xf32, #tpu.memory_space<vmem_shared>>) target_semaphore(%run_scoped3A : memref<!tpu.dma_semaphore, #tpu.memory_space<semaphore_mem>>)
        %dma_wait3A = arith.constant 0 : i32
        %dma_wait3A_73 = tpu.memref_slice %arg18[%add3A_63, %dma_wait3A] : memref<10000x128xf32, #tpu.memory_space<vmem_shared>> -> memref<32x128xf32, #tpu.memory_space<vmem_shared>>
        %dma_wait3A_74 = arith.constant 0 : i32
        %dma_wait3A_75 = tpu.memref_slice %arg18[%add3A_63, %dma_wait3A_74] : memref<10000x128xf32, #tpu.memory_space<vmem_shared>> -> memref<32x128xf32, #tpu.memory_space<vmem_shared>>
        tpu.wait_dma2 semaphore(%run_scoped3A : memref<!tpu.dma_semaphore, #tpu.memory_space<semaphore_mem>>) src(%arg15 : memref<32x128xf32, #tpu.memory_space<vmem>>) dst(%dma_wait3A_75 : memref<32x128xf32, #tpu.memory_space<vmem_shared>>)
        tpu.yield
      }) : () -> ()
      %add3A_64 = arith.constant 352 : i32
      %add3A_65 = arith.addi %mul3A_9, %add3A_64 : i32
      "tpu.region"() ({
        %run_scoped3A = tpu.sem_alloc : memref<!tpu.dma_semaphore, #tpu.memory_space<semaphore_mem>>
        %dma_start3A = arith.constant 0 : i32
        %dma_start3A_70 = tpu.memref_slice %arg18[%add3A_65, %dma_start3A] : memref<10000x128xf32, #tpu.memory_space<vmem_shared>> -> memref<32x128xf32, #tpu.memory_space<vmem_shared>>
        %dma_start3A_71 = arith.constant 0 : i32
        %dma_start3A_72 = tpu.memref_slice %arg18[%add3A_65, %dma_start3A_71] : memref<10000x128xf32, #tpu.memory_space<vmem_shared>> -> memref<32x128xf32, #tpu.memory_space<vmem_shared>>
        tpu.enqueue_dma source(%arg15 : memref<32x128xf32, #tpu.memory_space<vmem>>) target(%dma_start3A_72 : memref<32x128xf32, #tpu.memory_space<vmem_shared>>) target_semaphore(%run_scoped3A : memref<!tpu.dma_semaphore, #tpu.memory_space<semaphore_mem>>)
        %dma_wait3A = arith.constant 0 : i32
        %dma_wait3A_73 = tpu.memref_slice %arg18[%add3A_65, %dma_wait3A] : memref<10000x128xf32, #tpu.memory_space<vmem_shared>> -> memref<32x128xf32, #tpu.memory_space<vmem_shared>>
        %dma_wait3A_74 = arith.constant 0 : i32
        %dma_wait3A_75 = tpu.memref_slice %arg18[%add3A_65, %dma_wait3A_74] : memref<10000x128xf32, #tpu.memory_space<vmem_shared>> -> memref<32x128xf32, #tpu.memory_space<vmem_shared>>
        tpu.wait_dma2 semaphore(%run_scoped3A : memref<!tpu.dma_semaphore, #tpu.memory_space<semaphore_mem>>) src(%arg15 : memref<32x128xf32, #tpu.memory_space<vmem>>) dst(%dma_wait3A_75 : memref<32x128xf32, #tpu.memory_space<vmem_shared>>)
        tpu.yield
      }) : () -> ()
      %add3A_66 = arith.constant 384 : i32
      %add3A_67 = arith.addi %mul3A_9, %add3A_66 : i32
      "tpu.region"() ({
        %run_scoped3A = tpu.sem_alloc : memref<!tpu.dma_semaphore, #tpu.memory_space<semaphore_mem>>
        %dma_start3A = arith.constant 0 : i32
        %dma_start3A_70 = arith.constant 0 : i32
        %dma_start3A_71 = tpu.memref_slice %arg15[%dma_start3A, %dma_start3A_70] : memref<32x128xf32, #tpu.memory_space<vmem>> -> memref<16x128xf32, #tpu.memory_space<vmem>>
        %dma_start3A_72 = arith.constant 0 : i32
        %dma_start3A_73 = tpu.memref_slice %arg18[%add3A_67, %dma_start3A_72] : memref<10000x128xf32, #tpu.memory_space<vmem_shared>> -> memref<16x128xf32, #tpu.memory_space<vmem_shared>>
        %dma_start3A_74 = arith.constant 0 : i32
        %dma_start3A_75 = tpu.memref_slice %arg18[%add3A_67, %dma_start3A_74] : memref<10000x128xf32, #tpu.memory_space<vmem_shared>> -> memref<16x128xf32, #tpu.memory_space<vmem_shared>>
        %dma_start3A_76 = arith.constant 0 : i32
        %dma_start3A_77 = arith.constant 0 : i32
        %dma_start3A_78 = tpu.memref_slice %arg15[%dma_start3A_76, %dma_start3A_77] : memref<32x128xf32, #tpu.memory_space<vmem>> -> memref<16x128xf32, #tpu.memory_space<vmem>>
        tpu.enqueue_dma source(%dma_start3A_78 : memref<16x128xf32, #tpu.memory_space<vmem>>) target(%dma_start3A_75 : memref<16x128xf32, #tpu.memory_space<vmem_shared>>) target_semaphore(%run_scoped3A : memref<!tpu.dma_semaphore, #tpu.memory_space<semaphore_mem>>)
        %dma_wait3A = arith.constant 0 : i32
        %dma_wait3A_79 = arith.constant 0 : i32
        %dma_wait3A_80 = tpu.memref_slice %arg15[%dma_wait3A, %dma_wait3A_79] : memref<32x128xf32, #tpu.memory_space<vmem>> -> memref<16x128xf32, #tpu.memory_space<vmem>>
        %dma_wait3A_81 = arith.constant 0 : i32
        %dma_wait3A_82 = tpu.memref_slice %arg18[%add3A_67, %dma_wait3A_81] : memref<10000x128xf32, #tpu.memory_space<vmem_shared>> -> memref<16x128xf32, #tpu.memory_space<vmem_shared>>
        %dma_wait3A_83 = arith.constant 0 : i32
        %dma_wait3A_84 = tpu.memref_slice %arg18[%add3A_67, %dma_wait3A_83] : memref<10000x128xf32, #tpu.memory_space<vmem_shared>> -> memref<16x128xf32, #tpu.memory_space<vmem_shared>>
        %dma_wait3A_85 = arith.constant 0 : i32
        %dma_wait3A_86 = arith.constant 0 : i32
        %dma_wait3A_87 = tpu.memref_slice %arg15[%dma_wait3A_85, %dma_wait3A_86] : memref<32x128xf32, #tpu.memory_space<vmem>> -> memref<16x128xf32, #tpu.memory_space<vmem>>
        tpu.wait_dma2 semaphore(%run_scoped3A : memref<!tpu.dma_semaphore, #tpu.memory_space<semaphore_mem>>) src(%dma_wait3A_87 : memref<16x128xf32, #tpu.memory_space<vmem>>) dst(%dma_wait3A_84 : memref<16x128xf32, #tpu.memory_space<vmem_shared>>)
        tpu.yield
      }) : () -> ()
      "tpu.region"() ({
        %run_scoped3A = tpu.sem_alloc : memref<!tpu.dma_semaphore, #tpu.memory_space<semaphore_mem>>
        %dma_start3A = arith.constant 0 : i32
        %dma_start3A_70 = tpu.memref_slice %arg19[%mul3A_11, %dma_start3A] : memref<1256x128xf32, #tpu.memory_space<vmem_shared>> -> memref<32x128xf32, #tpu.memory_space<vmem_shared>>
        %dma_start3A_71 = arith.constant 0 : i32
        %dma_start3A_72 = tpu.memref_slice %arg19[%mul3A_11, %dma_start3A_71] : memref<1256x128xf32, #tpu.memory_space<vmem_shared>> -> memref<32x128xf32, #tpu.memory_space<vmem_shared>>
        tpu.enqueue_dma source(%arg16 : memref<32x128xf32, #tpu.memory_space<vmem>>) target(%dma_start3A_72 : memref<32x128xf32, #tpu.memory_space<vmem_shared>>) target_semaphore(%run_scoped3A : memref<!tpu.dma_semaphore, #tpu.memory_space<semaphore_mem>>)
        %dma_wait3A = arith.constant 0 : i32
        %dma_wait3A_73 = tpu.memref_slice %arg19[%mul3A_11, %dma_wait3A] : memref<1256x128xf32, #tpu.memory_space<vmem_shared>> -> memref<32x128xf32, #tpu.memory_space<vmem_shared>>
        %dma_wait3A_74 = arith.constant 0 : i32
        %dma_wait3A_75 = tpu.memref_slice %arg19[%mul3A_11, %dma_wait3A_74] : memref<1256x128xf32, #tpu.memory_space<vmem_shared>> -> memref<32x128xf32, #tpu.memory_space<vmem_shared>>
        tpu.wait_dma2 semaphore(%run_scoped3A : memref<!tpu.dma_semaphore, #tpu.memory_space<semaphore_mem>>) src(%arg16 : memref<32x128xf32, #tpu.memory_space<vmem>>) dst(%dma_wait3A_75 : memref<32x128xf32, #tpu.memory_space<vmem_shared>>)
        tpu.yield
      }) : () -> ()
      %add3A_68 = arith.constant 32 : i32
      %add3A_69 = arith.addi %mul3A_11, %add3A_68 : i32
      "tpu.region"() ({
        %run_scoped3A = tpu.sem_alloc : memref<!tpu.dma_semaphore, #tpu.memory_space<semaphore_mem>>
        %dma_start3A = arith.constant 0 : i32
        %dma_start3A_70 = arith.constant 0 : i32
        %dma_start3A_71 = tpu.memref_slice %arg16[%dma_start3A, %dma_start3A_70] : memref<32x128xf32, #tpu.memory_space<vmem>> -> memref<18x128xf32, #tpu.memory_space<vmem>>
        %dma_start3A_72 = arith.constant 0 : i32
        %dma_start3A_73 = tpu.memref_slice %arg19[%add3A_69, %dma_start3A_72] : memref<1256x128xf32, #tpu.memory_space<vmem_shared>> -> memref<18x128xf32, #tpu.memory_space<vmem_shared>>
        %dma_start3A_74 = arith.constant 0 : i32
        %dma_start3A_75 = tpu.memref_slice %arg19[%add3A_69, %dma_start3A_74] : memref<1256x128xf32, #tpu.memory_space<vmem_shared>> -> memref<18x128xf32, #tpu.memory_space<vmem_shared>>
        %dma_start3A_76 = arith.constant 0 : i32
        %dma_start3A_77 = arith.constant 0 : i32
        %dma_start3A_78 = tpu.memref_slice %arg16[%dma_start3A_76, %dma_start3A_77] : memref<32x128xf32, #tpu.memory_space<vmem>> -> memref<18x128xf32, #tpu.memory_space<vmem>>
        tpu.enqueue_dma source(%dma_start3A_78 : memref<18x128xf32, #tpu.memory_space<vmem>>) target(%dma_start3A_75 : memref<18x128xf32, #tpu.memory_space<vmem_shared>>) target_semaphore(%run_scoped3A : memref<!tpu.dma_semaphore, #tpu.memory_space<semaphore_mem>>)
        %dma_wait3A = arith.constant 0 : i32
        %dma_wait3A_79 = arith.constant 0 : i32
        %dma_wait3A_80 = tpu.memref_slice %arg16[%dma_wait3A, %dma_wait3A_79] : memref<32x128xf32, #tpu.memory_space<vmem>> -> memref<18x128xf32, #tpu.memory_space<vmem>>
        %dma_wait3A_81 = arith.constant 0 : i32
        %dma_wait3A_82 = tpu.memref_slice %arg19[%add3A_69, %dma_wait3A_81] : memref<1256x128xf32, #tpu.memory_space<vmem_shared>> -> memref<18x128xf32, #tpu.memory_space<vmem_shared>>
        %dma_wait3A_83 = arith.constant 0 : i32
        %dma_wait3A_84 = tpu.memref_slice %arg19[%add3A_69, %dma_wait3A_83] : memref<1256x128xf32, #tpu.memory_space<vmem_shared>> -> memref<18x128xf32, #tpu.memory_space<vmem_shared>>
        %dma_wait3A_85 = arith.constant 0 : i32
        %dma_wait3A_86 = arith.constant 0 : i32
        %dma_wait3A_87 = tpu.memref_slice %arg16[%dma_wait3A_85, %dma_wait3A_86] : memref<32x128xf32, #tpu.memory_space<vmem>> -> memref<18x128xf32, #tpu.memory_space<vmem>>
        tpu.wait_dma2 semaphore(%run_scoped3A : memref<!tpu.dma_semaphore, #tpu.memory_space<semaphore_mem>>) src(%dma_wait3A_87 : memref<18x128xf32, #tpu.memory_space<vmem>>) dst(%dma_wait3A_84 : memref<18x128xf32, #tpu.memory_space<vmem_shared>>)
        tpu.yield
      }) : () -> ()
    } else {
    }
    "tpu.region"() ({
      %run_scoped3A = tpu.sem_alloc : memref<!tpu.dma_semaphore, #tpu.memory_space<semaphore_mem>>
      tpu.enqueue_dma source(%arg4 : memref<128xf32, #tpu.memory_space<hbm>>) target(%arg17 : memref<128xf32, #tpu.memory_space<vmem>>) target_semaphore(%run_scoped3A : memref<!tpu.dma_semaphore, #tpu.memory_space<semaphore_mem>>)
      tpu.wait_dma2 semaphore(%run_scoped3A : memref<!tpu.dma_semaphore, #tpu.memory_space<semaphore_mem>>) src(%arg4 : memref<128xf32, #tpu.memory_space<hbm>>) dst(%arg17 : memref<128xf32, #tpu.memory_space<vmem>>)
      tpu.yield
    }) : () -> ()
    %barrier3A = arith.constant 0 : index
    tpu.barrier barrier_id(%barrier3A)
    %scan3A_24 = arith.constant 0 : i32
    %scan3A_25 = arith.constant 0 : i32
    %scan3A_26 = arith.constant 313 : i32
    %scan3A_27 = arith.addi %scan3A_25, %scan3A_26 : i32
    %scan3A_28 = arith.constant 1 : i32
    %scan3A_29 = scf.for %scan3A_42 = %scan3A_25 to %scan3A_27 step %scan3A_28 iter_args(%scan3A_43 = %scan3A_24) -> (i32)  : i32 {
      %mul3A_44 = arith.constant 32 : i32
      %mul3A_45 = arith.muli %scan3A_42, %mul3A_44 : i32
      %add3A_46 = arith.addi %add3A, %mul3A_45 : i32
      %lt3A_47 = arith.constant 10000 : i32
      %lt3A_48 = arith.cmpi slt, %add3A_46, %lt3A_47 : i32
      %convert_element_type3A_49 = arith.extui %lt3A_48 : i1 to i32
      %cond3A_50 = arith.constant 0 : i32
      %cond3A_51 = arith.cmpi ne, %convert_element_type3A_49, %cond3A_50 : i32
      scf.if %cond3A_51 {
        %mul3A_53 = arith.constant 32 : i32
        %mul3A_54 = arith.muli %add3A_46, %mul3A_53 : i32
        "tpu.region"() ({
          %run_scoped3A = tpu.sem_alloc : memref<!tpu.dma_semaphore, #tpu.memory_space<semaphore_mem>>
          %dma_start3A_112 = tpu.memref_slice %arg5[%mul3A_54] : memref<320000xi32, #tpu.memory_space<hbm>> -> memref<32xi32, #tpu.memory_space<hbm>>
          %dma_start3A_113 = tpu.memref_slice %arg5[%mul3A_54] : memref<320000xi32, #tpu.memory_space<hbm>> -> memref<32xi32, #tpu.memory_space<hbm>>
          tpu.enqueue_dma source(%dma_start3A_113 : memref<32xi32, #tpu.memory_space<hbm>>) target(%arg9 : memref<32xi32, #tpu.memory_space<vmem>>) target_semaphore(%run_scoped3A : memref<!tpu.dma_semaphore, #tpu.memory_space<semaphore_mem>>)
          %dma_wait3A_114 = tpu.memref_slice %arg5[%mul3A_54] : memref<320000xi32, #tpu.memory_space<hbm>> -> memref<32xi32, #tpu.memory_space<hbm>>
          %dma_wait3A_115 = tpu.memref_slice %arg5[%mul3A_54] : memref<320000xi32, #tpu.memory_space<hbm>> -> memref<32xi32, #tpu.memory_space<hbm>>
          tpu.wait_dma2 semaphore(%run_scoped3A : memref<!tpu.dma_semaphore, #tpu.memory_space<semaphore_mem>>) src(%dma_wait3A_115 : memref<32xi32, #tpu.memory_space<hbm>>) dst(%arg9 : memref<32xi32, #tpu.memory_space<vmem>>)
          tpu.yield
        }) : () -> ()
        "tpu.region"() ({
          %run_scoped3A = tpu.sem_alloc : memref<!tpu.dma_semaphore, #tpu.memory_space<semaphore_mem>>
          %dma_start3A_112 = tpu.memref_slice %arg6[%mul3A_54] : memref<320000xi32, #tpu.memory_space<hbm>> -> memref<32xi32, #tpu.memory_space<hbm>>
          %dma_start3A_113 = tpu.memref_slice %arg6[%mul3A_54] : memref<320000xi32, #tpu.memory_space<hbm>> -> memref<32xi32, #tpu.memory_space<hbm>>
          tpu.enqueue_dma source(%dma_start3A_113 : memref<32xi32, #tpu.memory_space<hbm>>) target(%arg10 : memref<32xi32, #tpu.memory_space<vmem>>) target_semaphore(%run_scoped3A : memref<!tpu.dma_semaphore, #tpu.memory_space<semaphore_mem>>)
          %dma_wait3A_114 = tpu.memref_slice %arg6[%mul3A_54] : memref<320000xi32, #tpu.memory_space<hbm>> -> memref<32xi32, #tpu.memory_space<hbm>>
          %dma_wait3A_115 = tpu.memref_slice %arg6[%mul3A_54] : memref<320000xi32, #tpu.memory_space<hbm>> -> memref<32xi32, #tpu.memory_space<hbm>>
          tpu.wait_dma2 semaphore(%run_scoped3A : memref<!tpu.dma_semaphore, #tpu.memory_space<semaphore_mem>>) src(%dma_wait3A_115 : memref<32xi32, #tpu.memory_space<hbm>>) dst(%arg10 : memref<32xi32, #tpu.memory_space<vmem>>)
          tpu.yield
        }) : () -> ()
        "tpu.region"() ({
          %run_scoped3A = tpu.sem_alloc : memref<!tpu.dma_semaphore, #tpu.memory_space<semaphore_mem>>
          %dma_start3A_112 = arith.constant 0 : i32
          %dma_start3A_113 = tpu.memref_slice %arg3[%mul3A_54, %dma_start3A_112] : memref<320000x16xf32, #tpu.memory_space<hbm>> -> memref<32x16xf32, #tpu.memory_space<hbm>>
          %dma_start3A_114 = arith.constant 0 : i32
          %dma_start3A_115 = tpu.memref_slice %arg3[%mul3A_54, %dma_start3A_114] : memref<320000x16xf32, #tpu.memory_space<hbm>> -> memref<32x16xf32, #tpu.memory_space<hbm>>
          tpu.enqueue_dma source(%dma_start3A_115 : memref<32x16xf32, #tpu.memory_space<hbm>>) target(%arg14 : memref<32x16xf32, #tpu.memory_space<vmem>>) target_semaphore(%run_scoped3A : memref<!tpu.dma_semaphore, #tpu.memory_space<semaphore_mem>>)
          %dma_wait3A_116 = arith.constant 0 : i32
          %dma_wait3A_117 = tpu.memref_slice %arg3[%mul3A_54, %dma_wait3A_116] : memref<320000x16xf32, #tpu.memory_space<hbm>> -> memref<32x16xf32, #tpu.memory_space<hbm>>
          %dma_wait3A_118 = arith.constant 0 : i32
          %dma_wait3A_119 = tpu.memref_slice %arg3[%mul3A_54, %dma_wait3A_118] : memref<320000x16xf32, #tpu.memory_space<hbm>> -> memref<32x16xf32, #tpu.memory_space<hbm>>
          tpu.wait_dma2 semaphore(%run_scoped3A : memref<!tpu.dma_semaphore, #tpu.memory_space<semaphore_mem>>) src(%dma_wait3A_119 : memref<32x16xf32, #tpu.memory_space<hbm>>) dst(%arg14 : memref<32x16xf32, #tpu.memory_space<vmem>>)
          tpu.yield
        }) : () -> ()
        %dma_start3A = arith.constant 0 : i32
        %dma_start3A_55 = arith.constant 0 : i32
        %dma_start3A_56 = tpu.memref_slice %arg2[%dma_start3A, %dma_start3A_55] : memref<10000x256xf32, #tpu.memory_space<hbm>> -> memref<10000x256xf32, #tpu.memory_space<hbm>>
        tpu.enqueue_indirect_dma source(%dma_start3A_56 : memref<10000x256xf32, #tpu.memory_space<hbm>>) target(%arg13 : memref<32x256xf32, #tpu.memory_space<vmem>>) offsets(%arg9 : memref<32xi32, #tpu.memory_space<vmem>>) semaphore(%arg20 : memref<!tpu.dma_semaphore, #tpu.memory_space<semaphore_mem>>)
        %dma_wait3A = arith.constant 0 : i32
        %dma_wait3A_57 = arith.constant 0 : i32
        %dma_wait3A_58 = tpu.memref_slice %arg2[%dma_wait3A, %dma_wait3A_57] : memref<10000x256xf32, #tpu.memory_space<hbm>> -> memref<10000x256xf32, #tpu.memory_space<hbm>>
        tpu.wait_indirect_dma semaphore(%arg20 : memref<!tpu.dma_semaphore, #tpu.memory_space<semaphore_mem>>) src(%dma_wait3A_58 : memref<10000x256xf32, #tpu.memory_space<hbm>>) dst(%arg13 : memref<32x256xf32, #tpu.memory_space<vmem>>)
        %get3A = arith.constant 0 : index
        %get3A_59 = tpu.vector_load %arg17[%get3A] {strides = array<i32>} : memref<128xf32, #tpu.memory_space<vmem>>, vector<16xf32>,
        %get3A_60 = vector.shape_cast %get3A_59 : vector<16xf32> to vector<16xf32>
        %get3A_61 = arith.constant 0 : index
        %get3A_62 = tpu.vector_load %arg10[%get3A_61] {strides = array<i32>} : memref<32xi32, #tpu.memory_space<vmem>>, vector<16xi32>,
        %get3A_63 = vector.shape_cast %get3A_62 : vector<16xi32> to vector<16xi32>
        %shift_right_logical3A = arith.constant 3 : i32
        %shift_right_logical3A_64 = vector.broadcast %shift_right_logical3A : i32 to vector<16xi32>
        %shift_right_logical3A_65 = arith.shrui %get3A_63, %shift_right_logical3A_64 : vector<16xi32>
        %swap3A = arith.constant 0 : index
        %swap3A_66 = tpu.vector_load %arg11[%swap3A] {strides = array<i32>} : memref<32xi32, #tpu.memory_space<vmem>>, vector<16xi32>,
        %swap3A_67 = vector.shape_cast %swap3A_66 : vector<16xi32> to vector<16xi32>
        %swap3A_68 = vector.shape_cast %shift_right_logical3A_65 : vector<16xi32> to vector<16xi32>
        tpu.vector_store %arg11[%swap3A], %swap3A_68 {strides = array<i32>} : memref<32xi32, #tpu.memory_space<vmem>>, vector<16xi32>,
        %and3A = arith.constant 7 : i32
        %and3A_69 = vector.broadcast %and3A : i32 to vector<16xi32>
        %and3A_70 = arith.andi %get3A_63, %and3A_69 : vector<16xi32>
        %mul3A_71 = arith.constant 16 : i32
        %mul3A_72 = vector.broadcast %mul3A_71 : i32 to vector<16xi32>
        %mul3A_73 = arith.muli %and3A_70, %mul3A_72 : vector<16xi32>
        %swap3A_74 = arith.constant 0 : index
        %swap3A_75 = tpu.vector_load %arg12[%swap3A_74] {strides = array<i32>} : memref<48xi32, #tpu.memory_space<vmem>>, vector<16xi32>,
        %swap3A_76 = vector.shape_cast %swap3A_75 : vector<16xi32> to vector<16xi32>
        %swap3A_77 = vector.shape_cast %mul3A_73 : vector<16xi32> to vector<16xi32>
        tpu.vector_store %arg12[%swap3A_74], %swap3A_77 {strides = array<i32>} : memref<48xi32, #tpu.memory_space<vmem>>, vector<16xi32>,
        %get3A_78 = arith.constant 16 : index
        %get3A_79 = tpu.vector_load %arg10[%get3A_78] {strides = array<i32>} : memref<32xi32, #tpu.memory_space<vmem>>, vector<16xi32>,
        %get3A_80 = vector.shape_cast %get3A_79 : vector<16xi32> to vector<16xi32>
        %shift_right_logical3A_81 = arith.constant 3 : i32
        %shift_right_logical3A_82 = vector.broadcast %shift_right_logical3A_81 : i32 to vector<16xi32>
        %shift_right_logical3A_83 = arith.shrui %get3A_80, %shift_right_logical3A_82 : vector<16xi32>
        %swap3A_84 = arith.constant 16 : index
        %swap3A_85 = tpu.vector_load %arg11[%swap3A_84] {strides = array<i32>} : memref<32xi32, #tpu.memory_space<vmem>>, vector<16xi32>,
        %swap3A_86 = vector.shape_cast %swap3A_85 : vector<16xi32> to vector<16xi32>
        %swap3A_87 = vector.shape_cast %shift_right_logical3A_83 : vector<16xi32> to vector<16xi32>
        tpu.vector_store %arg11[%swap3A_84], %swap3A_87 {strides = array<i32>} : memref<32xi32, #tpu.memory_space<vmem>>, vector<16xi32>,
        %and3A_88 = arith.constant 7 : i32
        %and3A_89 = vector.broadcast %and3A_88 : i32 to vector<16xi32>
        %and3A_90 = arith.andi %get3A_80, %and3A_89 : vector<16xi32>
        %mul3A_91 = arith.constant 16 : i32
        %mul3A_92 = vector.broadcast %mul3A_91 : i32 to vector<16xi32>
        %mul3A_93 = arith.muli %and3A_90, %mul3A_92 : vector<16xi32>
        %swap3A_94 = arith.constant 16 : index
        %swap3A_95 = tpu.vector_load %arg12[%swap3A_94] {strides = array<i32>} : memref<48xi32, #tpu.memory_space<vmem>>, vector<16xi32>,
        %swap3A_96 = vector.shape_cast %swap3A_95 : vector<16xi32> to vector<16xi32>
        %swap3A_97 = vector.shape_cast %mul3A_93 : vector<16xi32> to vector<16xi32>
        tpu.vector_store %arg12[%swap3A_94], %swap3A_97 {strides = array<i32>} : memref<48xi32, #tpu.memory_space<vmem>>, vector<16xi32>,
        %scan3A_98 = arith.constant 0 : i32
        %scan3A_99 = arith.constant 0 : i32
        %scan3A_100 = arith.constant 32 : i32
        %scan3A_101 = arith.addi %scan3A_99, %scan3A_100 : i32
        %scan3A_102 = arith.constant 1 : i32
        %scan3A_103 = scf.for %scan3A_112 = %scan3A_99 to %scan3A_101 step %scan3A_102 iter_args(%scan3A_113 = %scan3A_98) -> (i32)  : i32 {
          %get3A_114 = arith.index_cast %scan3A_112 : i32 to index
          %get3A_115 = arith.constant 128 : index
          %get3A_116 = tpu.vector_load %arg13[%get3A_114, %get3A_115] {strides = array<i32>} : memref<32x256xf32, #tpu.memory_space<vmem>>, vector<1x16xf32>,
          %get3A_117 = vector.shape_cast %get3A_116 : vector<1x16xf32> to vector<16xf32>
          %get3A_118 = arith.index_cast %scan3A_112 : i32 to index
          %get3A_119 = arith.constant 0 : index
          %get3A_120 = tpu.vector_load %arg14[%get3A_118, %get3A_119] {strides = array<i32>} : memref<32x16xf32, #tpu.memory_space<vmem>>, vector<1x16xf32>,
          %get3A_121 = vector.shape_cast %get3A_120 : vector<1x16xf32> to vector<16xf32>
          %add3A_122 = arith.addf %get3A_117, %get3A_121 : vector<16xf32>
          %mul3A_123 = arith.constant 0.00999999977 : f32
          %mul3A_124 = vector.broadcast %mul3A_123 : f32 to vector<16xf32>
          %mul3A_125 = arith.mulf %mul3A_124, %add3A_122 : vector<16xf32>
          %max3A = arith.maximumf %add3A_122, %mul3A_125 : vector<16xf32>
          %sub3A = arith.subf %max3A, %get3A_60 : vector<16xf32>
          %exp3A = math.exp %sub3A : vector<16xf32>
          %get3A_126 = arith.index_cast %scan3A_112 : i32 to index
          %get3A_127 = tpu.vector_load %arg12[%get3A_126] {strides = array<i32>} : memref<48xi32, #tpu.memory_space<vmem>>, vector<16xi32>,
          %get3A_128 = vector.shape_cast %get3A_127 : vector<16xi32> to vector<16xi32>
          %slice3A = vector.extract_strided_slice %get3A_128 {offsets = [0], sizes = [1], strides = [1]} : vector<16xi32> to vector<1xi32>
          %squeeze3A = vector.extract %slice3A[0] : i32 from vector<1xi32>
          %swap3A_129 = arith.index_cast %scan3A_112 : i32 to index
          %swap3A_130 = arith.index_cast %squeeze3A : i32 to index
          %swap3A_131 = tpu.vector_load %arg16[%swap3A_129, %swap3A_130] {strides = array<i32>} : memref<32x128xf32, #tpu.memory_space<vmem>>, vector<1x16xf32>,
          %swap3A_132 = vector.shape_cast %swap3A_131 : vector<1x16xf32> to vector<16xf32>
          %swap3A_133 = vector.shape_cast %exp3A : vector<16xf32> to vector<1x16xf32>
          tpu.vector_store %arg16[%swap3A_129, %swap3A_130], %swap3A_133 {strides = array<i32>} : memref<32x128xf32, #tpu.memory_space<vmem>>, vector<1x16xf32>,
          %mul3A_134 = arith.constant 0 : i32
          %mul3A_135 = vector.broadcast %mul3A_134 : i32 to vector<16xi32>
          %mul3A_136 = arith.muli %iota3A, %mul3A_135 : vector<16xi32>
          %add3A_137 = arith.constant 0 : i32
          %add3A_138 = vector.broadcast %add3A_137 : i32 to vector<16xi32>
          %add3A_139 = arith.addi %mul3A_136, %add3A_138 : vector<16xi32>
          %broadcast_in_dim3A_140 = vector.shape_cast %add3A_139 : vector<16xi32> to vector<16x1xi32>
          %gather3A = vector.shape_cast %broadcast_in_dim3A_140 : vector<16x1xi32> to vector<16xi32>
          %gather3A_141 = tpu.dynamic_gather %exp3A[%gather3A] in [0] : vector<16xf32>, vector<16xi32> -> vector<16xf32>
          %get3A_142 = arith.index_cast %scan3A_112 : i32 to index
          %get3A_143 = arith.constant 0 : index
          %get3A_144 = tpu.vector_load %arg13[%get3A_142, %get3A_143] {strides = array<i32>} : memref<32x256xf32, #tpu.memory_space<vmem>>, vector<1x16xf32>,
          %get3A_145 = vector.shape_cast %get3A_144 : vector<1x16xf32> to vector<16xf32>
          %mul3A_146 = arith.mulf %get3A_145, %gather3A_141 : vector<16xf32>
          %swap3A_147 = arith.index_cast %scan3A_112 : i32 to index
          %swap3A_148 = arith.constant 0 : index
          %swap3A_149 = tpu.vector_load %arg15[%swap3A_147, %swap3A_148] {strides = array<i32>} : memref<32x128xf32, #tpu.memory_space<vmem>>, vector<1x16xf32>,
          %swap3A_150 = vector.shape_cast %swap3A_149 : vector<1x16xf32> to vector<16xf32>
          %swap3A_151 = vector.shape_cast %mul3A_146 : vector<16xf32> to vector<1x16xf32>
          tpu.vector_store %arg15[%swap3A_147, %swap3A_148], %swap3A_151 {strides = array<i32>} : memref<32x128xf32, #tpu.memory_space<vmem>>, vector<1x16xf32>,
          %mul3A_152 = arith.constant 0 : i32
          %mul3A_153 = vector.broadcast %mul3A_152 : i32 to vector<16xi32>
          %mul3A_154 = arith.muli %iota3A, %mul3A_153 : vector<16xi32>
          %add3A_155 = arith.constant 1 : i32
          %add3A_156 = vector.broadcast %add3A_155 : i32 to vector<16xi32>
          %add3A_157 = arith.addi %mul3A_154, %add3A_156 : vector<16xi32>
          %broadcast_in_dim3A_158 = vector.shape_cast %add3A_157 : vector<16xi32> to vector<16x1xi32>
          %gather3A_159 = vector.shape_cast %broadcast_in_dim3A_158 : vector<16x1xi32> to vector<16xi32>
          %gather3A_160 = tpu.dynamic_gather %exp3A[%gather3A_159] in [0] : vector<16xf32>, vector<16xi32> -> vector<16xf32>
          %get3A_161 = arith.index_cast %scan3A_112 : i32 to index
          %get3A_162 = arith.constant 16 : index
          %get3A_163 = tpu.vector_load %arg13[%get3A_161, %get3A_162] {strides = array<i32>} : memref<32x256xf32, #tpu.memory_space<vmem>>, vector<1x16xf32>,
          %get3A_164 = vector.shape_cast %get3A_163 : vector<1x16xf32> to vector<16xf32>
          %mul3A_165 = arith.mulf %get3A_164, %gather3A_160 : vector<16xf32>
          %swap3A_166 = arith.index_cast %scan3A_112 : i32 to index
          %swap3A_167 = arith.constant 16 : index
          %swap3A_168 = tpu.vector_load %arg15[%swap3A_166, %swap3A_167] {strides = array<i32>} : memref<32x128xf32, #tpu.memory_space<vmem>>, vector<1x16xf32>,
          %swap3A_169 = vector.shape_cast %swap3A_168 : vector<1x16xf32> to vector<16xf32>
          %swap3A_170 = vector.shape_cast %mul3A_165 : vector<16xf32> to vector<1x16xf32>
          tpu.vector_store %arg15[%swap3A_166, %swap3A_167], %swap3A_170 {strides = array<i32>} : memref<32x128xf32, #tpu.memory_space<vmem>>, vector<1x16xf32>,
          %mul3A_171 = arith.constant 0 : i32
          %mul3A_172 = vector.broadcast %mul3A_171 : i32 to vector<16xi32>
          %mul3A_173 = arith.muli %iota3A, %mul3A_172 : vector<16xi32>
          %add3A_174 = arith.constant 2 : i32
          %add3A_175 = vector.broadcast %add3A_174 : i32 to vector<16xi32>
          %add3A_176 = arith.addi %mul3A_173, %add3A_175 : vector<16xi32>
          %broadcast_in_dim3A_177 = vector.shape_cast %add3A_176 : vector<16xi32> to vector<16x1xi32>
          %gather3A_178 = vector.shape_cast %broadcast_in_dim3A_177 : vector<16x1xi32> to vector<16xi32>
          %gather3A_179 = tpu.dynamic_gather %exp3A[%gather3A_178] in [0] : vector<16xf32>, vector<16xi32> -> vector<16xf32>
          %get3A_180 = arith.index_cast %scan3A_112 : i32 to index
          %get3A_181 = arith.constant 32 : index
          %get3A_182 = tpu.vector_load %arg13[%get3A_180, %get3A_181] {strides = array<i32>} : memref<32x256xf32, #tpu.memory_space<vmem>>, vector<1x16xf32>,
          %get3A_183 = vector.shape_cast %get3A_182 : vector<1x16xf32> to vector<16xf32>
          %mul3A_184 = arith.mulf %get3A_183, %gather3A_179 : vector<16xf32>
          %swap3A_185 = arith.index_cast %scan3A_112 : i32 to index
          %swap3A_186 = arith.constant 32 : index
          %swap3A_187 = tpu.vector_load %arg15[%swap3A_185, %swap3A_186] {strides = array<i32>} : memref<32x128xf32, #tpu.memory_space<vmem>>, vector<1x16xf32>,
          %swap3A_188 = vector.shape_cast %swap3A_187 : vector<1x16xf32> to vector<16xf32>
          %swap3A_189 = vector.shape_cast %mul3A_184 : vector<16xf32> to vector<1x16xf32>
          tpu.vector_store %arg15[%swap3A_185, %swap3A_186], %swap3A_189 {strides = array<i32>} : memref<32x128xf32, #tpu.memory_space<vmem>>, vector<1x16xf32>,
          %mul3A_190 = arith.constant 0 : i32
          %mul3A_191 = vector.broadcast %mul3A_190 : i32 to vector<16xi32>
          %mul3A_192 = arith.muli %iota3A, %mul3A_191 : vector<16xi32>
          %add3A_193 = arith.constant 3 : i32
          %add3A_194 = vector.broadcast %add3A_193 : i32 to vector<16xi32>
          %add3A_195 = arith.addi %mul3A_192, %add3A_194 : vector<16xi32>
          %broadcast_in_dim3A_196 = vector.shape_cast %add3A_195 : vector<16xi32> to vector<16x1xi32>
          %gather3A_197 = vector.shape_cast %broadcast_in_dim3A_196 : vector<16x1xi32> to vector<16xi32>
          %gather3A_198 = tpu.dynamic_gather %exp3A[%gather3A_197] in [0] : vector<16xf32>, vector<16xi32> -> vector<16xf32>
          %get3A_199 = arith.index_cast %scan3A_112 : i32 to index
          %get3A_200 = arith.constant 48 : index
          %get3A_201 = tpu.vector_load %arg13[%get3A_199, %get3A_200] {strides = array<i32>} : memref<32x256xf32, #tpu.memory_space<vmem>>, vector<1x16xf32>,
          %get3A_202 = vector.shape_cast %get3A_201 : vector<1x16xf32> to vector<16xf32>
          %mul3A_203 = arith.mulf %get3A_202, %gather3A_198 : vector<16xf32>
          %swap3A_204 = arith.index_cast %scan3A_112 : i32 to index
          %swap3A_205 = arith.constant 48 : index
          %swap3A_206 = tpu.vector_load %arg15[%swap3A_204, %swap3A_205] {strides = array<i32>} : memref<32x128xf32, #tpu.memory_space<vmem>>, vector<1x16xf32>,
          %swap3A_207 = vector.shape_cast %swap3A_206 : vector<1x16xf32> to vector<16xf32>
          %swap3A_208 = vector.shape_cast %mul3A_203 : vector<16xf32> to vector<1x16xf32>
          tpu.vector_store %arg15[%swap3A_204, %swap3A_205], %swap3A_208 {strides = array<i32>} : memref<32x128xf32, #tpu.memory_space<vmem>>, vector<1x16xf32>,
          %mul3A_209 = arith.constant 0 : i32
          %mul3A_210 = vector.broadcast %mul3A_209 : i32 to vector<16xi32>
          %mul3A_211 = arith.muli %iota3A, %mul3A_210 : vector<16xi32>
          %add3A_212 = arith.constant 4 : i32
          %add3A_213 = vector.broadcast %add3A_212 : i32 to vector<16xi32>
          %add3A_214 = arith.addi %mul3A_211, %add3A_213 : vector<16xi32>
          %broadcast_in_dim3A_215 = vector.shape_cast %add3A_214 : vector<16xi32> to vector<16x1xi32>
          %gather3A_216 = vector.shape_cast %broadcast_in_dim3A_215 : vector<16x1xi32> to vector<16xi32>
          %gather3A_217 = tpu.dynamic_gather %exp3A[%gather3A_216] in [0] : vector<16xf32>, vector<16xi32> -> vector<16xf32>
          %get3A_218 = arith.index_cast %scan3A_112 : i32 to index
          %get3A_219 = arith.constant 64 : index
          %get3A_220 = tpu.vector_load %arg13[%get3A_218, %get3A_219] {strides = array<i32>} : memref<32x256xf32, #tpu.memory_space<vmem>>, vector<1x16xf32>,
          %get3A_221 = vector.shape_cast %get3A_220 : vector<1x16xf32> to vector<16xf32>
          %mul3A_222 = arith.mulf %get3A_221, %gather3A_217 : vector<16xf32>
          %swap3A_223 = arith.index_cast %scan3A_112 : i32 to index
          %swap3A_224 = arith.constant 64 : index
          %swap3A_225 = tpu.vector_load %arg15[%swap3A_223, %swap3A_224] {strides = array<i32>} : memref<32x128xf32, #tpu.memory_space<vmem>>, vector<1x16xf32>,
          %swap3A_226 = vector.shape_cast %swap3A_225 : vector<1x16xf32> to vector<16xf32>
          %swap3A_227 = vector.shape_cast %mul3A_222 : vector<16xf32> to vector<1x16xf32>
          tpu.vector_store %arg15[%swap3A_223, %swap3A_224], %swap3A_227 {strides = array<i32>} : memref<32x128xf32, #tpu.memory_space<vmem>>, vector<1x16xf32>,
          %mul3A_228 = arith.constant 0 : i32
          %mul3A_229 = vector.broadcast %mul3A_228 : i32 to vector<16xi32>
          %mul3A_230 = arith.muli %iota3A, %mul3A_229 : vector<16xi32>
          %add3A_231 = arith.constant 5 : i32
          %add3A_232 = vector.broadcast %add3A_231 : i32 to vector<16xi32>
          %add3A_233 = arith.addi %mul3A_230, %add3A_232 : vector<16xi32>
          %broadcast_in_dim3A_234 = vector.shape_cast %add3A_233 : vector<16xi32> to vector<16x1xi32>
          %gather3A_235 = vector.shape_cast %broadcast_in_dim3A_234 : vector<16x1xi32> to vector<16xi32>
          %gather3A_236 = tpu.dynamic_gather %exp3A[%gather3A_235] in [0] : vector<16xf32>, vector<16xi32> -> vector<16xf32>
          %get3A_237 = arith.index_cast %scan3A_112 : i32 to index
          %get3A_238 = arith.constant 80 : index
          %get3A_239 = tpu.vector_load %arg13[%get3A_237, %get3A_238] {strides = array<i32>} : memref<32x256xf32, #tpu.memory_space<vmem>>, vector<1x16xf32>,
          %get3A_240 = vector.shape_cast %get3A_239 : vector<1x16xf32> to vector<16xf32>
          %mul3A_241 = arith.mulf %get3A_240, %gather3A_236 : vector<16xf32>
          %swap3A_242 = arith.index_cast %scan3A_112 : i32 to index
          %swap3A_243 = arith.constant 80 : index
          %swap3A_244 = tpu.vector_load %arg15[%swap3A_242, %swap3A_243] {strides = array<i32>} : memref<32x128xf32, #tpu.memory_space<vmem>>, vector<1x16xf32>,
          %swap3A_245 = vector.shape_cast %swap3A_244 : vector<1x16xf32> to vector<16xf32>
          %swap3A_246 = vector.shape_cast %mul3A_241 : vector<16xf32> to vector<1x16xf32>
          tpu.vector_store %arg15[%swap3A_242, %swap3A_243], %swap3A_246 {strides = array<i32>} : memref<32x128xf32, #tpu.memory_space<vmem>>, vector<1x16xf32>,
          %mul3A_247 = arith.constant 0 : i32
          %mul3A_248 = vector.broadcast %mul3A_247 : i32 to vector<16xi32>
          %mul3A_249 = arith.muli %iota3A, %mul3A_248 : vector<16xi32>
          %add3A_250 = arith.constant 6 : i32
          %add3A_251 = vector.broadcast %add3A_250 : i32 to vector<16xi32>
          %add3A_252 = arith.addi %mul3A_249, %add3A_251 : vector<16xi32>
          %broadcast_in_dim3A_253 = vector.shape_cast %add3A_252 : vector<16xi32> to vector<16x1xi32>
          %gather3A_254 = vector.shape_cast %broadcast_in_dim3A_253 : vector<16x1xi32> to vector<16xi32>
          %gather3A_255 = tpu.dynamic_gather %exp3A[%gather3A_254] in [0] : vector<16xf32>, vector<16xi32> -> vector<16xf32>
          %get3A_256 = arith.index_cast %scan3A_112 : i32 to index
          %get3A_257 = arith.constant 96 : index
          %get3A_258 = tpu.vector_load %arg13[%get3A_256, %get3A_257] {strides = array<i32>} : memref<32x256xf32, #tpu.memory_space<vmem>>, vector<1x16xf32>,
          %get3A_259 = vector.shape_cast %get3A_258 : vector<1x16xf32> to vector<16xf32>
          %mul3A_260 = arith.mulf %get3A_259, %gather3A_255 : vector<16xf32>
          %swap3A_261 = arith.index_cast %scan3A_112 : i32 to index
          %swap3A_262 = arith.constant 96 : index
          %swap3A_263 = tpu.vector_load %arg15[%swap3A_261, %swap3A_262] {strides = array<i32>} : memref<32x128xf32, #tpu.memory_space<vmem>>, vector<1x16xf32>,
          %swap3A_264 = vector.shape_cast %swap3A_263 : vector<1x16xf32> to vector<16xf32>
          %swap3A_265 = vector.shape_cast %mul3A_260 : vector<16xf32> to vector<1x16xf32>
          tpu.vector_store %arg15[%swap3A_261, %swap3A_262], %swap3A_265 {strides = array<i32>} : memref<32x128xf32, #tpu.memory_space<vmem>>, vector<1x16xf32>,
          %mul3A_266 = arith.constant 0 : i32
          %mul3A_267 = vector.broadcast %mul3A_266 : i32 to vector<16xi32>
          %mul3A_268 = arith.muli %iota3A, %mul3A_267 : vector<16xi32>
          %add3A_269 = arith.constant 7 : i32
          %add3A_270 = vector.broadcast %add3A_269 : i32 to vector<16xi32>
          %add3A_271 = arith.addi %mul3A_268, %add3A_270 : vector<16xi32>
          %broadcast_in_dim3A_272 = vector.shape_cast %add3A_271 : vector<16xi32> to vector<16x1xi32>
          %gather3A_273 = vector.shape_cast %broadcast_in_dim3A_272 : vector<16x1xi32> to vector<16xi32>
          %gather3A_274 = tpu.dynamic_gather %exp3A[%gather3A_273] in [0] : vector<16xf32>, vector<16xi32> -> vector<16xf32>
          %get3A_275 = arith.index_cast %scan3A_112 : i32 to index
          %get3A_276 = arith.constant 112 : index
          %get3A_277 = tpu.vector_load %arg13[%get3A_275, %get3A_276] {strides = array<i32>} : memref<32x256xf32, #tpu.memory_space<vmem>>, vector<1x16xf32>,
          %get3A_278 = vector.shape_cast %get3A_277 : vector<1x16xf32> to vector<16xf32>
          %mul3A_279 = arith.mulf %get3A_278, %gather3A_274 : vector<16xf32>
          %swap3A_280 = arith.index_cast %scan3A_112 : i32 to index
          %swap3A_281 = arith.constant 112 : index
          %swap3A_282 = tpu.vector_load %arg15[%swap3A_280, %swap3A_281] {strides = array<i32>} : memref<32x128xf32, #tpu.memory_space<vmem>>, vector<1x16xf32>,
          %swap3A_283 = vector.shape_cast %swap3A_282 : vector<1x16xf32> to vector<16xf32>
          %swap3A_284 = vector.shape_cast %mul3A_279 : vector<16xf32> to vector<1x16xf32>
          tpu.vector_store %arg15[%swap3A_280, %swap3A_281], %swap3A_284 {strides = array<i32>} : memref<32x128xf32, #tpu.memory_space<vmem>>, vector<1x16xf32>,
          %scan3A_285 = arith.constant 0 : i32
          scf.yield %scan3A_285 : i32
        }
        %scan3A_104 = arith.constant 32 : i32
        "tpu.region"() ({
          %run_scoped3A = tpu.sem_alloc : memref<!tpu.dma_semaphore, #tpu.memory_space<semaphore_mem>>
          %dma_start3A_112 = arith.constant 0 : i32
          %dma_start3A_113 = arith.constant 0 : i32
          %dma_start3A_114 = tpu.memref_slice %arg18[%dma_start3A_112, %dma_start3A_113] : memref<10000x128xf32, #tpu.memory_space<vmem_shared>> -> memref<10000x128xf32, #tpu.memory_space<vmem_shared>>
          tpu.enqueue_indirect_dma source(%arg15 : memref<32x128xf32, #tpu.memory_space<vmem>>) target(%dma_start3A_114 : memref<10000x128xf32, #tpu.memory_space<vmem_shared>>) offsets(%arg10 : memref<32xi32, #tpu.memory_space<vmem>>) semaphore(%run_scoped3A : memref<!tpu.dma_semaphore, #tpu.memory_space<semaphore_mem>>) {add = true}
          %dma_wait3A_115 = arith.constant 0 : i32
          %dma_wait3A_116 = arith.constant 0 : i32
          %dma_wait3A_117 = tpu.memref_slice %arg18[%dma_wait3A_115, %dma_wait3A_116] : memref<10000x128xf32, #tpu.memory_space<vmem_shared>> -> memref<10000x128xf32, #tpu.memory_space<vmem_shared>>
          tpu.wait_indirect_dma semaphore(%run_scoped3A : memref<!tpu.dma_semaphore, #tpu.memory_space<semaphore_mem>>) src(%arg15 : memref<32x128xf32, #tpu.memory_space<vmem>>) dst(%dma_wait3A_117 : memref<10000x128xf32, #tpu.memory_space<vmem_shared>>)
          tpu.yield
        }) : () -> ()
        "tpu.region"() ({
          %run_scoped3A = tpu.sem_alloc : memref<!tpu.dma_semaphore, #tpu.memory_space<semaphore_mem>>
          %dma_start3A_112 = arith.constant 0 : i32
          %dma_start3A_113 = arith.constant 0 : i32
          %dma_start3A_114 = tpu.memref_slice %arg19[%dma_start3A_112, %dma_start3A_113] : memref<1256x128xf32, #tpu.memory_space<vmem_shared>> -> memref<1256x128xf32, #tpu.memory_space<vmem_shared>>
          tpu.enqueue_indirect_dma source(%arg16 : memref<32x128xf32, #tpu.memory_space<vmem>>) target(%dma_start3A_114 : memref<1256x128xf32, #tpu.memory_space<vmem_shared>>) offsets(%arg11 : memref<32xi32, #tpu.memory_space<vmem>>) semaphore(%run_scoped3A : memref<!tpu.dma_semaphore, #tpu.memory_space<semaphore_mem>>) {add = true}
          %dma_wait3A_115 = arith.constant 0 : i32
          %dma_wait3A_116 = arith.constant 0 : i32
          %dma_wait3A_117 = tpu.memref_slice %arg19[%dma_wait3A_115, %dma_wait3A_116] : memref<1256x128xf32, #tpu.memory_space<vmem_shared>> -> memref<1256x128xf32, #tpu.memory_space<vmem_shared>>
          tpu.wait_indirect_dma semaphore(%run_scoped3A : memref<!tpu.dma_semaphore, #tpu.memory_space<semaphore_mem>>) src(%arg16 : memref<32x128xf32, #tpu.memory_space<vmem>>) dst(%dma_wait3A_117 : memref<1256x128xf32, #tpu.memory_space<vmem_shared>>)
          tpu.yield
        }) : () -> ()
        %scan3A_105 = arith.constant 0 : i32
        %scan3A_106 = arith.constant 0 : i32
        %scan3A_107 = arith.constant 32 : i32
        %scan3A_108 = arith.addi %scan3A_106, %scan3A_107 : i32
        %scan3A_109 = arith.constant 1 : i32
        %scan3A_110 = scf.for %scan3A_112 = %scan3A_106 to %scan3A_108 step %scan3A_109 iter_args(%scan3A_113 = %scan3A_105) -> (i32)  : i32 {
          %get3A_114 = arith.index_cast %scan3A_112 : i32 to index
          %get3A_115 = tpu.vector_load %arg12[%get3A_114] {strides = array<i32>} : memref<48xi32, #tpu.memory_space<vmem>>, vector<16xi32>,
          %get3A_116 = vector.shape_cast %get3A_115 : vector<16xi32> to vector<16xi32>
          %slice3A = vector.extract_strided_slice %get3A_116 {offsets = [0], sizes = [1], strides = [1]} : vector<16xi32> to vector<1xi32>
          %squeeze3A = vector.extract %slice3A[0] : i32 from vector<1xi32>
          %swap3A_117 = arith.index_cast %scan3A_112 : i32 to index
          %swap3A_118 = arith.index_cast %squeeze3A : i32 to index
          %swap3A_119 = tpu.vector_load %arg16[%swap3A_117, %swap3A_118] {strides = array<i32>} : memref<32x128xf32, #tpu.memory_space<vmem>>, vector<1x16xf32>,
          %swap3A_120 = vector.shape_cast %swap3A_119 : vector<1x16xf32> to vector<16xf32>
          %swap3A_121 = vector.shape_cast %broadcast_in_dim3A_1 : vector<16xf32> to vector<1x16xf32>
          tpu.vector_store %arg16[%swap3A_117, %swap3A_118], %swap3A_121 {strides = array<i32>} : memref<32x128xf32, #tpu.memory_space<vmem>>, vector<1x16xf32>,
          %scan3A_122 = arith.constant 0 : i32
          scf.yield %scan3A_122 : i32
        }
        %scan3A_111 = arith.constant 32 : i32
      } else {
      }
      %scan3A_52 = arith.constant 0 : i32
      scf.yield %scan3A_52 : i32
    }
    %scan3A_30 = arith.constant 313 : i32
    %barrier3A_31 = arith.constant 0 : index
    tpu.barrier barrier_id(%barrier3A_31)
    %lt3A_32 = arith.constant 15 : i32
    %lt3A_33 = arith.cmpi slt, %arg1, %lt3A_32 : i32
    %convert_element_type3A_34 = arith.extui %lt3A_33 : i1 to i32
    %cond3A_35 = arith.constant 0 : i32
    %cond3A_36 = arith.cmpi ne, %convert_element_type3A_34, %cond3A_35 : i32
    scf.if %cond3A_36 {
      "tpu.region"() ({
        %run_scoped3A = tpu.sem_alloc : memref<!tpu.dma_semaphore, #tpu.memory_space<semaphore_mem>>
        %dma_start3A = arith.constant 0 : i32
        %dma_start3A_42 = tpu.memref_slice %arg7[%add3A_14, %dma_start3A] : memref<20000x128xf32, #tpu.memory_space<hbm>> -> memref<640x128xf32, #tpu.memory_space<hbm>>
        %dma_start3A_43 = arith.constant 0 : i32
        %dma_start3A_44 = tpu.memref_slice %arg18[%mul3A_9, %dma_start3A_43] : memref<10000x128xf32, #tpu.memory_space<vmem_shared>> -> memref<640x128xf32, #tpu.memory_space<vmem_shared>>
        tpu.enqueue_dma source(%dma_start3A_44 : memref<640x128xf32, #tpu.memory_space<vmem_shared>>) target(%dma_start3A_42 : memref<640x128xf32, #tpu.memory_space<hbm>>) target_semaphore(%run_scoped3A : memref<!tpu.dma_semaphore, #tpu.memory_space<semaphore_mem>>)
        %dma_wait3A = arith.constant 0 : i32
        %dma_wait3A_45 = tpu.memref_slice %arg7[%add3A_14, %dma_wait3A] : memref<20000x128xf32, #tpu.memory_space<hbm>> -> memref<640x128xf32, #tpu.memory_space<hbm>>
        %dma_wait3A_46 = arith.constant 0 : i32
        %dma_wait3A_47 = tpu.memref_slice %arg18[%mul3A_9, %dma_wait3A_46] : memref<10000x128xf32, #tpu.memory_space<vmem_shared>> -> memref<640x128xf32, #tpu.memory_space<vmem_shared>>
        tpu.wait_dma2 semaphore(%run_scoped3A : memref<!tpu.dma_semaphore, #tpu.memory_space<semaphore_mem>>) src(%dma_wait3A_47 : memref<640x128xf32, #tpu.memory_space<vmem_shared>>) dst(%dma_wait3A_45 : memref<640x128xf32, #tpu.memory_space<hbm>>)
        tpu.yield
      }) : () -> ()
      "tpu.region"() ({
        %run_scoped3A = tpu.sem_alloc : memref<!tpu.dma_semaphore, #tpu.memory_space<semaphore_mem>>
        %dma_start3A = arith.constant 0 : i32
        %dma_start3A_42 = tpu.memref_slice %arg8[%add3A_17, %dma_start3A] : memref<2560x128xf32, #tpu.memory_space<hbm>> -> memref<80x128xf32, #tpu.memory_space<hbm>>
        %dma_start3A_43 = arith.constant 0 : i32
        %dma_start3A_44 = tpu.memref_slice %arg19[%mul3A_11, %dma_start3A_43] : memref<1256x128xf32, #tpu.memory_space<vmem_shared>> -> memref<80x128xf32, #tpu.memory_space<vmem_shared>>
        tpu.enqueue_dma source(%dma_start3A_44 : memref<80x128xf32, #tpu.memory_space<vmem_shared>>) target(%dma_start3A_42 : memref<80x128xf32, #tpu.memory_space<hbm>>) target_semaphore(%run_scoped3A : memref<!tpu.dma_semaphore, #tpu.memory_space<semaphore_mem>>)
        %dma_wait3A = arith.constant 0 : i32
        %dma_wait3A_45 = tpu.memref_slice %arg8[%add3A_17, %dma_wait3A] : memref<2560x128xf32, #tpu.memory_space<hbm>> -> memref<80x128xf32, #tpu.memory_space<hbm>>
        %dma_wait3A_46 = arith.constant 0 : i32
        %dma_wait3A_47 = tpu.memref_slice %arg19[%mul3A_11, %dma_wait3A_46] : memref<1256x128xf32, #tpu.memory_space<vmem_shared>> -> memref<80x128xf32, #tpu.memory_space<vmem_shared>>
        tpu.wait_dma2 semaphore(%run_scoped3A : memref<!tpu.dma_semaphore, #tpu.memory_space<semaphore_mem>>) src(%dma_wait3A_47 : memref<80x128xf32, #tpu.memory_space<vmem_shared>>) dst(%dma_wait3A_45 : memref<80x128xf32, #tpu.memory_space<hbm>>)
        tpu.yield
      }) : () -> ()
    } else {
    }
    %eq3A_37 = arith.constant 15 : i32
    %eq3A_38 = arith.cmpi eq, %arg1, %eq3A_37 : i32
    %convert_element_type3A_39 = arith.extui %eq3A_38 : i1 to i32
    %cond3A_40 = arith.constant 0 : i32
    %cond3A_41 = arith.cmpi ne, %convert_element_type3A_39, %cond3A_40 : i32
    scf.if %cond3A_41 {
      "tpu.region"() ({
        %run_scoped3A = tpu.sem_alloc : memref<!tpu.dma_semaphore, #tpu.memory_space<semaphore_mem>>
        %dma_start3A = arith.constant 0 : i32
        %dma_start3A_42 = tpu.memref_slice %arg7[%add3A_14, %dma_start3A] : memref<20000x128xf32, #tpu.memory_space<hbm>> -> memref<400x128xf32, #tpu.memory_space<hbm>>
        %dma_start3A_43 = arith.constant 0 : i32
        %dma_start3A_44 = tpu.memref_slice %arg18[%mul3A_9, %dma_start3A_43] : memref<10000x128xf32, #tpu.memory_space<vmem_shared>> -> memref<400x128xf32, #tpu.memory_space<vmem_shared>>
        tpu.enqueue_dma source(%dma_start3A_44 : memref<400x128xf32, #tpu.memory_space<vmem_shared>>) target(%dma_start3A_42 : memref<400x128xf32, #tpu.memory_space<hbm>>) target_semaphore(%run_scoped3A : memref<!tpu.dma_semaphore, #tpu.memory_space<semaphore_mem>>)
        %dma_wait3A = arith.constant 0 : i32
        %dma_wait3A_45 = tpu.memref_slice %arg7[%add3A_14, %dma_wait3A] : memref<20000x128xf32, #tpu.memory_space<hbm>> -> memref<400x128xf32, #tpu.memory_space<hbm>>
        %dma_wait3A_46 = arith.constant 0 : i32
        %dma_wait3A_47 = tpu.memref_slice %arg18[%mul3A_9, %dma_wait3A_46] : memref<10000x128xf32, #tpu.memory_space<vmem_shared>> -> memref<400x128xf32, #tpu.memory_space<vmem_shared>>
        tpu.wait_dma2 semaphore(%run_scoped3A : memref<!tpu.dma_semaphore, #tpu.memory_space<semaphore_mem>>) src(%dma_wait3A_47 : memref<400x128xf32, #tpu.memory_space<vmem_shared>>) dst(%dma_wait3A_45 : memref<400x128xf32, #tpu.memory_space<hbm>>)
        tpu.yield
      }) : () -> ()
      "tpu.region"() ({
        %run_scoped3A = tpu.sem_alloc : memref<!tpu.dma_semaphore, #tpu.memory_space<semaphore_mem>>
        %dma_start3A = arith.constant 0 : i32
        %dma_start3A_42 = tpu.memref_slice %arg8[%add3A_17, %dma_start3A] : memref<2560x128xf32, #tpu.memory_space<hbm>> -> memref<56x128xf32, #tpu.memory_space<hbm>>
        %dma_start3A_43 = arith.constant 0 : i32
        %dma_start3A_44 = tpu.memref_slice %arg19[%mul3A_11, %dma_start3A_43] : memref<1256x128xf32, #tpu.memory_space<vmem_shared>> -> memref<56x128xf32, #tpu.memory_space<vmem_shared>>
        tpu.enqueue_dma source(%dma_start3A_44 : memref<56x128xf32, #tpu.memory_space<vmem_shared>>) target(%dma_start3A_42 : memref<56x128xf32, #tpu.memory_space<hbm>>) target_semaphore(%run_scoped3A : memref<!tpu.dma_semaphore, #tpu.memory_space<semaphore_mem>>)
        %dma_wait3A = arith.constant 0 : i32
        %dma_wait3A_45 = tpu.memref_slice %arg8[%add3A_17, %dma_wait3A] : memref<2560x128xf32, #tpu.memory_space<hbm>> -> memref<56x128xf32, #tpu.memory_space<hbm>>
        %dma_wait3A_46 = arith.constant 0 : i32
        %dma_wait3A_47 = tpu.memref_slice %arg19[%mul3A_11, %dma_wait3A_46] : memref<1256x128xf32, #tpu.memory_space<vmem_shared>> -> memref<56x128xf32, #tpu.memory_space<vmem_shared>>
        tpu.wait_dma2 semaphore(%run_scoped3A : memref<!tpu.dma_semaphore, #tpu.memory_space<semaphore_mem>>) src(%dma_wait3A_47 : memref<56x128xf32, #tpu.memory_space<vmem_shared>>) dst(%dma_wait3A_45 : memref<56x128xf32, #tpu.memory_space<hbm>>)
        tpu.yield
      }) : () -> ()
    } else {
    }
    return
  }
}

module attributes {stable_mosaic.version = 14 : i64} {
  func.func @_cfeat_body(%arg0: i32, %arg1: memref<12800x16xf32, #tpu.memory_space<vmem>>, %arg2: memref<16x16xf32, #tpu.memory_space<vmem>>, %arg3: memref<1x16xf32, #tpu.memory_space<vmem>>, %arg4: memref<12800x16xf32, #tpu.memory_space<vmem>>, %arg5: memref<8x16xf32, #tpu.memory_space<vmem>>) attributes {dimension_semantics = [#tpu.dimension_semantics<arbitrary>], iteration_bounds = array<i64: 25>, scalar_prefetch = 0 : i64, scratch_operands = 0 : i64, tpu.core_type = #tpu.core_type<tc>, window_params = [{transform_indices = @transform_0, window_bounds = array<i64: 12800, 16>}, {pipeline_mode = #tpu.pipeline_mode<synchronous>, transform_indices = @transform_1, window_bounds = array<i64: 16, 16>}, {pipeline_mode = #tpu.pipeline_mode<synchronous>, transform_indices = @transform_2, window_bounds = array<i64: 1, 16>}, {transform_indices = @transform_3, window_bounds = array<i64: 12800, 16>}, {pipeline_mode = #tpu.pipeline_mode<synchronous>, transform_indices = @transform_4, window_bounds = array<i64: 8, 16>}]} {
    %get3A = arith.constant 0 : index
    %get3A_0 = arith.constant 0 : index
    %get3A_1 = vector.load %arg1[%get3A, %get3A_0] : memref<12800x16xf32, #tpu.memory_space<vmem>>, vector<12800x16xf32>
    %get3A_2 = arith.constant 0 : index
    %get3A_3 = arith.constant 0 : index
    %get3A_4 = vector.load %arg2[%get3A_2, %get3A_3] : memref<16x16xf32, #tpu.memory_space<vmem>>, vector<16x16xf32>
    %dot_general3A = arith.constant dense<0.000000e+00> : vector<12800x16xf32>
    %dot_general3A_5 = tpu.matmul %get3A_1, %get3A_4, %dot_general3A {dimension_numbers = #tpu.dot_dimension_numbers<[1], [0], [0], [1], [0, 0, 1, 1], [], []>, transpose_lhs_hint = false} : vector<12800x16xf32>, vector<16x16xf32>, vector<12800x16xf32> -> vector<12800x16xf32>
    %get3A_6 = arith.constant 0 : index
    %get3A_7 = arith.constant 0 : index
    %get3A_8 = vector.load %arg3[%get3A_6, %get3A_7] : memref<1x16xf32, #tpu.memory_space<vmem>>, vector<1x16xf32>
    %add3A = vector.broadcast %get3A_8 : vector<1x16xf32> to vector<12800x16xf32>
    %add3A_9 = arith.addf %dot_general3A_5, %add3A : vector<12800x16xf32>
    %swap3A = arith.constant 0 : index
    %swap3A_10 = arith.constant 0 : index
    %swap3A_11 = vector.load %arg4[%swap3A, %swap3A_10] : memref<12800x16xf32, #tpu.memory_space<vmem>>, vector<12800x16xf32>
    tpu.vector_store %arg4[%swap3A, %swap3A_10], %add3A_9 {strides = array<i32>} : memref<12800x16xf32, #tpu.memory_space<vmem>>, vector<12800x16xf32>,
    %reduce_max3A = arith.constant dense<0xFF800000> : vector<16xf32>
    %reduce_max3A_12 = vector.multi_reduction <maximumf>, %add3A_9, %reduce_max3A [0] : vector<12800x16xf32> to vector<16xf32>
    %broadcast_in_dim3A = vector.shape_cast %reduce_max3A_12 : vector<16xf32> to vector<1x16xf32>
    %broadcast_in_dim3A_13 = vector.shape_cast %broadcast_in_dim3A : vector<1x16xf32> to vector<1x16xf32>
    %broadcast_in_dim3A_14 = vector.broadcast %broadcast_in_dim3A_13 : vector<1x16xf32> to vector<8x16xf32>
    %eq3A = arith.constant 0 : i32
    %eq3A_15 = arith.cmpi eq, %arg0, %eq3A : i32
    %convert_element_type3A = arith.extui %eq3A_15 : i1 to i32
    %cond3A = arith.constant 0 : i32
    %cond3A_16 = arith.cmpi ne, %convert_element_type3A, %cond3A : i32
    scf.if %cond3A_16 {
      %swap3A_21 = arith.constant 0 : index
      %swap3A_22 = arith.constant 0 : index
      %swap3A_23 = vector.load %arg5[%swap3A_21, %swap3A_22] : memref<8x16xf32, #tpu.memory_space<vmem>>, vector<8x16xf32>
      tpu.vector_store %arg5[%swap3A_21, %swap3A_22], %broadcast_in_dim3A_14 {strides = array<i32>} : memref<8x16xf32, #tpu.memory_space<vmem>>, vector<8x16xf32>,
    } else {
    }
    %ne3A = arith.constant 0 : i32
    %ne3A_17 = arith.cmpi ne, %arg0, %ne3A : i32
    %convert_element_type3A_18 = arith.extui %ne3A_17 : i1 to i32
    %cond3A_19 = arith.constant 0 : i32
    %cond3A_20 = arith.cmpi ne, %convert_element_type3A_18, %cond3A_19 : i32
    scf.if %cond3A_20 {
      %get3A_21 = arith.constant 0 : index
      %get3A_22 = arith.constant 0 : index
      %get3A_23 = vector.load %arg5[%get3A_21, %get3A_22] : memref<8x16xf32, #tpu.memory_space<vmem>>, vector<8x16xf32>
      %max3A = arith.maximumf %get3A_23, %broadcast_in_dim3A_14 : vector<8x16xf32>
      %swap3A_24 = arith.constant 0 : index
      %swap3A_25 = arith.constant 0 : index
      %swap3A_26 = vector.load %arg5[%swap3A_24, %swap3A_25] : memref<8x16xf32, #tpu.memory_space<vmem>>, vector<8x16xf32>
      tpu.vector_store %arg5[%swap3A_24, %swap3A_25], %max3A {strides = array<i32>} : memref<8x16xf32, #tpu.memory_space<vmem>>, vector<8x16xf32>,
    } else {
    }
    return
  }
  func.func @transform_0(%arg0: i32) -> (i32, i32) {
    %c0_i32 = arith.constant 0 : i32
    %c0_i32_0 = arith.constant 0 : i32
    return %arg0, %c0_i32 : i32, i32
  }
  func.func @transform_1(%arg0: i32) -> (i32, i32) {
    %c0_i32 = arith.constant 0 : i32
    %c0_i32_0 = arith.constant 0 : i32
    %c0_i32_1 = arith.constant 0 : i32
    return %c0_i32, %c0_i32_0 : i32, i32
  }
  func.func @transform_2(%arg0: i32) -> (i32, i32) {
    %c0_i32 = arith.constant 0 : i32
    %c0_i32_0 = arith.constant 0 : i32
    %c0_i32_1 = arith.constant 0 : i32
    return %c0_i32, %c0_i32_0 : i32, i32
  }
  func.func @transform_3(%arg0: i32) -> (i32, i32) {
    %c0_i32 = arith.constant 0 : i32
    %c0_i32_0 = arith.constant 0 : i32
    return %arg0, %c0_i32 : i32, i32
  }
  func.func @transform_4(%arg0: i32) -> (i32, i32) {
    %c0_i32 = arith.constant 0 : i32
    %c0_i32_0 = arith.constant 0 : i32
    %c0_i32_1 = arith.constant 0 : i32
    return %c0_i32, %c0_i32_0 : i32, i32
  }
}

module attributes {stable_mosaic.version = 14 : i64} {
  func.func @_zs_body(%arg0: i32, %arg1: memref<1000x128xf32, #tpu.memory_space<vmem>>, %arg2: memref<128x128xf32, #tpu.memory_space<vmem>>, %arg3: memref<128x16xf32, #tpu.memory_space<vmem>>, %arg4: memref<1000x256xf32, #tpu.memory_space<vmem>>, %arg5: memref<8x16xf32, #tpu.memory_space<vmem>>) attributes {dimension_semantics = [#tpu.dimension_semantics<arbitrary>], iteration_bounds = array<i64: 10>, scalar_prefetch = 0 : i64, scratch_operands = 0 : i64, tpu.core_type = #tpu.core_type<tc>, window_params = [{transform_indices = @transform_0, window_bounds = array<i64: 1000, 128>}, {pipeline_mode = #tpu.pipeline_mode<synchronous>, transform_indices = @transform_1, window_bounds = array<i64: 128, 128>}, {pipeline_mode = #tpu.pipeline_mode<synchronous>, transform_indices = @transform_2, window_bounds = array<i64: 128, 16>}, {transform_indices = @transform_3, window_bounds = array<i64: 1000, 256>}, {pipeline_mode = #tpu.pipeline_mode<synchronous>, transform_indices = @transform_4, window_bounds = array<i64: 8, 16>}]} {
    %get3A = arith.constant 0 : index
    %get3A_0 = arith.constant 0 : index
    %get3A_1 = vector.load %arg1[%get3A, %get3A_0] : memref<1000x128xf32, #tpu.memory_space<vmem>>, vector<1000x128xf32>
    %get3A_2 = arith.constant 0 : index
    %get3A_3 = arith.constant 0 : index
    %get3A_4 = vector.load %arg2[%get3A_2, %get3A_3] : memref<128x128xf32, #tpu.memory_space<vmem>>, vector<128x128xf32>
    %dot_general3A = arith.constant dense<0.000000e+00> : vector<1000x128xf32>
    %dot_general3A_5 = tpu.matmul %get3A_1, %get3A_4, %dot_general3A {dimension_numbers = #tpu.dot_dimension_numbers<[1], [0], [0], [1], [0, 0, 1, 1], [], []>, transpose_lhs_hint = false} : vector<1000x128xf32>, vector<128x128xf32>, vector<1000x128xf32> -> vector<1000x128xf32>
    %get3A_6 = arith.constant 0 : index
    %get3A_7 = arith.constant 0 : index
    %get3A_8 = vector.load %arg3[%get3A_6, %get3A_7] : memref<128x16xf32, #tpu.memory_space<vmem>>, vector<128x16xf32>
    %dot_general3A_9 = arith.constant dense<0.000000e+00> : vector<1000x16xf32>
    %dot_general3A_10 = tpu.matmul %dot_general3A_5, %get3A_8, %dot_general3A_9 {dimension_numbers = #tpu.dot_dimension_numbers<[1], [0], [0], [1], [0, 0, 1, 1], [], []>, transpose_lhs_hint = false} : vector<1000x128xf32>, vector<128x16xf32>, vector<1000x16xf32> -> vector<1000x16xf32>
    %swap3A = arith.constant 0 : index
    %swap3A_11 = arith.constant 0 : index
    %swap3A_12 = vector.load %arg4[%swap3A, %swap3A_11] : memref<1000x256xf32, #tpu.memory_space<vmem>>, vector<1000x128xf32>
    tpu.vector_store %arg4[%swap3A, %swap3A_11], %dot_general3A_5 {strides = array<i32>} : memref<1000x256xf32, #tpu.memory_space<vmem>>, vector<1000x128xf32>,
    %swap3A_13 = arith.constant 0 : index
    %swap3A_14 = arith.constant 128 : index
    %swap3A_15 = vector.load %arg4[%swap3A_13, %swap3A_14] : memref<1000x256xf32, #tpu.memory_space<vmem>>, vector<1000x16xf32>
    tpu.vector_store %arg4[%swap3A_13, %swap3A_14], %dot_general3A_10 {strides = array<i32>} : memref<1000x256xf32, #tpu.memory_space<vmem>>, vector<1000x16xf32>,
    %broadcast_in_dim3A = arith.constant 0.000000e+00 : f32
    %broadcast_in_dim3A_16 = vector.broadcast %broadcast_in_dim3A : f32 to vector<1000x112xf32>
    %swap3A_17 = arith.constant 0 : index
    %swap3A_18 = arith.constant 144 : index
    %swap3A_19 = vector.load %arg4[%swap3A_17, %swap3A_18] : memref<1000x256xf32, #tpu.memory_space<vmem>>, vector<1000x112xf32>
    tpu.vector_store %arg4[%swap3A_17, %swap3A_18], %broadcast_in_dim3A_16 {strides = array<i32>} : memref<1000x256xf32, #tpu.memory_space<vmem>>, vector<1000x112xf32>,
    %reduce_max3A = arith.constant dense<0xFF800000> : vector<16xf32>
    %reduce_max3A_20 = vector.multi_reduction <maximumf>, %dot_general3A_10, %reduce_max3A [0] : vector<1000x16xf32> to vector<16xf32>
    %broadcast_in_dim3A_21 = vector.shape_cast %reduce_max3A_20 : vector<16xf32> to vector<1x16xf32>
    %broadcast_in_dim3A_22 = vector.shape_cast %broadcast_in_dim3A_21 : vector<1x16xf32> to vector<1x16xf32>
    %broadcast_in_dim3A_23 = vector.broadcast %broadcast_in_dim3A_22 : vector<1x16xf32> to vector<8x16xf32>
    %eq3A = arith.constant 0 : i32
    %eq3A_24 = arith.cmpi eq, %arg0, %eq3A : i32
    %convert_element_type3A = arith.extui %eq3A_24 : i1 to i32
    %cond3A = arith.constant 0 : i32
    %cond3A_25 = arith.cmpi ne, %convert_element_type3A, %cond3A : i32
    scf.if %cond3A_25 {
      %swap3A_30 = arith.constant 0 : index
      %swap3A_31 = arith.constant 0 : index
      %swap3A_32 = vector.load %arg5[%swap3A_30, %swap3A_31] : memref<8x16xf32, #tpu.memory_space<vmem>>, vector<8x16xf32>
      tpu.vector_store %arg5[%swap3A_30, %swap3A_31], %broadcast_in_dim3A_23 {strides = array<i32>} : memref<8x16xf32, #tpu.memory_space<vmem>>, vector<8x16xf32>,
    } else {
    }
    %ne3A = arith.constant 0 : i32
    %ne3A_26 = arith.cmpi ne, %arg0, %ne3A : i32
    %convert_element_type3A_27 = arith.extui %ne3A_26 : i1 to i32
    %cond3A_28 = arith.constant 0 : i32
    %cond3A_29 = arith.cmpi ne, %convert_element_type3A_27, %cond3A_28 : i32
    scf.if %cond3A_29 {
      %get3A_30 = arith.constant 0 : index
      %get3A_31 = arith.constant 0 : index
      %get3A_32 = vector.load %arg5[%get3A_30, %get3A_31] : memref<8x16xf32, #tpu.memory_space<vmem>>, vector<8x16xf32>
      %max3A = arith.maximumf %get3A_32, %broadcast_in_dim3A_23 : vector<8x16xf32>
      %swap3A_33 = arith.constant 0 : index
      %swap3A_34 = arith.constant 0 : index
      %swap3A_35 = vector.load %arg5[%swap3A_33, %swap3A_34] : memref<8x16xf32, #tpu.memory_space<vmem>>, vector<8x16xf32>
      tpu.vector_store %arg5[%swap3A_33, %swap3A_34], %max3A {strides = array<i32>} : memref<8x16xf32, #tpu.memory_space<vmem>>, vector<8x16xf32>,
    } else {
    }
    return
  }
  func.func @transform_0(%arg0: i32) -> (i32, i32) {
    %c0_i32 = arith.constant 0 : i32
    %c0_i32_0 = arith.constant 0 : i32
    return %arg0, %c0_i32 : i32, i32
  }
  func.func @transform_1(%arg0: i32) -> (i32, i32) {
    %c0_i32 = arith.constant 0 : i32
    %c0_i32_0 = arith.constant 0 : i32
    %c0_i32_1 = arith.constant 0 : i32
    return %c0_i32, %c0_i32_0 : i32, i32
  }
  func.func @transform_2(%arg0: i32) -> (i32, i32) {
    %c0_i32 = arith.constant 0 : i32
    %c0_i32_0 = arith.constant 0 : i32
    %c0_i32_1 = arith.constant 0 : i32
    return %c0_i32, %c0_i32_0 : i32, i32
  }
  func.func @transform_3(%arg0: i32) -> (i32, i32) {
    %c0_i32 = arith.constant 0 : i32
    %c0_i32_0 = arith.constant 0 : i32
    return %arg0, %c0_i32 : i32, i32
  }
  func.func @transform_4(%arg0: i32) -> (i32, i32) {
    %c0_i32 = arith.constant 0 : i32
    %c0_i32_0 = arith.constant 0 : i32
    %c0_i32_1 = arith.constant 0 : i32
    return %c0_i32, %c0_i32_0 : i32, i32
  }
}

module attributes {stable_mosaic.version = 14 : i64} {
  func.func @_ffn_body(%arg0: i32, %arg1: memref<2x1000x128xf32, #tpu.memory_space<vmem>>, %arg2: memref<2x1000x16xf32, #tpu.memory_space<vmem>>, %arg3: memref<1000x128xf32, #tpu.memory_space<vmem>>, %arg4: memref<16x128xf32, #tpu.memory_space<vmem>>, %arg5: memref<128x512xf32, #tpu.memory_space<vmem>>, %arg6: memref<1x512xf32, #tpu.memory_space<vmem>>, %arg7: memref<512x128xf32, #tpu.memory_space<vmem>>, %arg8: memref<1x128xf32, #tpu.memory_space<vmem>>, %arg9: memref<1x128xf32, #tpu.memory_space<vmem>>, %arg10: memref<1x128xf32, #tpu.memory_space<vmem>>, %arg11: memref<1000x128xf32, #tpu.memory_space<vmem>>) attributes {dimension_semantics = [#tpu.dimension_semantics<arbitrary>], iteration_bounds = array<i64: 10>, scalar_prefetch = 0 : i64, scratch_operands = 0 : i64, tpu.core_type = #tpu.core_type<tc>, window_params = [{transform_indices = @transform_0, window_bounds = array<i64: 2, 1000, 128>}, {transform_indices = @transform_1, window_bounds = array<i64: 2, 1000, 16>}, {transform_indices = @transform_2, window_bounds = array<i64: 1000, 128>}, {pipeline_mode = #tpu.pipeline_mode<synchronous>, transform_indices = @transform_3, window_bounds = array<i64: 16, 128>}, {pipeline_mode = #tpu.pipeline_mode<synchronous>, transform_indices = @transform_4, window_bounds = array<i64: 128, 512>}, {pipeline_mode = #tpu.pipeline_mode<synchronous>, transform_indices = @transform_5, window_bounds = array<i64: 1, 512>}, {pipeline_mode = #tpu.pipeline_mode<synchronous>, transform_indices = @transform_6, window_bounds = array<i64: 512, 128>}, {pipeline_mode = #tpu.pipeline_mode<synchronous>, transform_indices = @transform_7, window_bounds = array<i64: 1, 128>}, {pipeline_mode = #tpu.pipeline_mode<synchronous>, transform_indices = @transform_8, window_bounds = array<i64: 1, 128>}, {pipeline_mode = #tpu.pipeline_mode<synchronous>, transform_indices = @transform_9, window_bounds = array<i64: 1, 128>}, {transform_indices = @transform_10, window_bounds = array<i64: 1000, 128>}]} {
    %get3A = arith.constant 0 : index
    %get3A_0 = arith.constant 0 : index
    %get3A_1 = arith.constant 0 : index
    %get3A_2 = vector.load %arg2[%get3A, %get3A_0, %get3A_1] : memref<2x1000x16xf32, #tpu.memory_space<vmem>>, vector<1x1000x16xf32>
    %get3A_3 = vector.shape_cast %get3A_2 : vector<1x1000x16xf32> to vector<1000x16xf32>
    %get3A_4 = arith.constant 1 : index
    %get3A_5 = arith.constant 0 : index
    %get3A_6 = arith.constant 0 : index
    %get3A_7 = vector.load %arg2[%get3A_4, %get3A_5, %get3A_6] : memref<2x1000x16xf32, #tpu.memory_space<vmem>>, vector<1x1000x16xf32>
    %get3A_8 = vector.shape_cast %get3A_7 : vector<1x1000x16xf32> to vector<1000x16xf32>
    %add3A = arith.addf %get3A_3, %get3A_8 : vector<1000x16xf32>
    %get3A_9 = arith.constant 0 : index
    %get3A_10 = arith.constant 0 : index
    %get3A_11 = vector.load %arg4[%get3A_9, %get3A_10] : memref<16x128xf32, #tpu.memory_space<vmem>>, vector<16x128xf32>
    %dot_general3A = arith.constant dense<0.000000e+00> : vector<1000x128xf32>
    %dot_general3A_12 = tpu.matmul %add3A, %get3A_11, %dot_general3A {dimension_numbers = #tpu.dot_dimension_numbers<[1], [0], [0], [1], [0, 0, 1, 1], [], []>, transpose_lhs_hint = false} : vector<1000x16xf32>, vector<16x128xf32>, vector<1000x128xf32> -> vector<1000x128xf32>
    %get3A_13 = arith.constant 0 : index
    %get3A_14 = arith.constant 0 : index
    %get3A_15 = arith.constant 0 : index
    %get3A_16 = vector.load %arg1[%get3A_13, %get3A_14, %get3A_15] : memref<2x1000x128xf32, #tpu.memory_space<vmem>>, vector<1x1000x128xf32>
    %get3A_17 = vector.shape_cast %get3A_16 : vector<1x1000x128xf32> to vector<1000x128xf32>
    %get3A_18 = arith.constant 1 : index
    %get3A_19 = arith.constant 0 : index
    %get3A_20 = arith.constant 0 : index
    %get3A_21 = vector.load %arg1[%get3A_18, %get3A_19, %get3A_20] : memref<2x1000x128xf32, #tpu.memory_space<vmem>>, vector<1x1000x128xf32>
    %get3A_22 = vector.shape_cast %get3A_21 : vector<1x1000x128xf32> to vector<1000x128xf32>
    %add3A_23 = arith.addf %get3A_17, %get3A_22 : vector<1000x128xf32>
    %add3A_24 = arith.constant 9.99999968E-21 : f32
    %add3A_25 = vector.broadcast %add3A_24 : f32 to vector<1000x128xf32>
    %add3A_26 = arith.addf %dot_general3A_12, %add3A_25 : vector<1000x128xf32>
    %div3A = arith.divf %add3A_23, %add3A_26 : vector<1000x128xf32>
    %gt3A = arith.constant 0.000000e+00 : f32
    %gt3A_27 = vector.broadcast %gt3A : f32 to vector<1000x128xf32>
    %gt3A_28 = arith.cmpf ogt, %div3A, %gt3A_27 : vector<1000x128xf32>
    %min3A = arith.constant 0.000000e+00 : f32
    %min3A_29 = vector.broadcast %min3A : f32 to vector<1000x128xf32>
    %min3A_30 = arith.minimumf %div3A, %min3A_29 : vector<1000x128xf32>
    %exp3A = math.exp %min3A_30 : vector<1000x128xf32>
    %sub3A = arith.constant 1.000000e+00 : f32
    %sub3A_31 = vector.broadcast %sub3A : f32 to vector<1000x128xf32>
    %sub3A_32 = arith.subf %exp3A, %sub3A_31 : vector<1000x128xf32>
    %select_n3A = arith.select %gt3A_28, %div3A, %sub3A_32 : vector<1000x128xi1>, vector<1000x128xf32>
    %get3A_33 = arith.constant 0 : index
    %get3A_34 = arith.constant 0 : index
    %get3A_35 = vector.load %arg3[%get3A_33, %get3A_34] : memref<1000x128xf32, #tpu.memory_space<vmem>>, vector<1000x128xf32>
    %add3A_36 = arith.addf %select_n3A, %get3A_35 : vector<1000x128xf32>
    %reduce_sum3A = arith.constant dense<0.000000e+00> : vector<1000xf32>
    %reduce_sum3A_37 = vector.multi_reduction <add>, %add3A_36, %reduce_sum3A [1] : vector<1000x128xf32> to vector<1000xf32>
    %broadcast_in_dim3A = vector.shape_cast %reduce_sum3A_37 : vector<1000xf32> to vector<1000x1xf32>
    %div3A_38 = arith.constant 1.280000e+02 : f32
    %div3A_39 = vector.broadcast %div3A_38 : f32 to vector<1000x1xf32>
    %div3A_40 = arith.divf %broadcast_in_dim3A, %div3A_39 : vector<1000x1xf32>
    %sub3A_41 = vector.broadcast %div3A_40 : vector<1000x1xf32> to vector<1000x128xf32>
    %sub3A_42 = arith.subf %add3A_36, %sub3A_41 : vector<1000x128xf32>
    %square3A = arith.mulf %sub3A_42, %sub3A_42 : vector<1000x128xf32>
    %reduce_sum3A_43 = arith.constant dense<0.000000e+00> : vector<1000xf32>
    %reduce_sum3A_44 = vector.multi_reduction <add>, %square3A, %reduce_sum3A_43 [1] : vector<1000x128xf32> to vector<1000xf32>
    %broadcast_in_dim3A_45 = vector.shape_cast %reduce_sum3A_44 : vector<1000xf32> to vector<1000x1xf32>
    %div3A_46 = arith.constant 1.280000e+02 : f32
    %div3A_47 = vector.broadcast %div3A_46 : f32 to vector<1000x1xf32>
    %div3A_48 = arith.divf %broadcast_in_dim3A_45, %div3A_47 : vector<1000x1xf32>
    %sub3A_49 = vector.broadcast %div3A_40 : vector<1000x1xf32> to vector<1000x128xf32>
    %sub3A_50 = arith.subf %add3A_36, %sub3A_49 : vector<1000x128xf32>
    %add3A_51 = arith.constant 9.99999974E-6 : f32
    %add3A_52 = vector.broadcast %add3A_51 : f32 to vector<1000x1xf32>
    %add3A_53 = arith.addf %div3A_48, %add3A_52 : vector<1000x1xf32>
    %sqrt3A = math.sqrt %add3A_53 : vector<1000x1xf32>
    %div3A_54 = vector.broadcast %sqrt3A : vector<1000x1xf32> to vector<1000x128xf32>
    %div3A_55 = arith.divf %sub3A_50, %div3A_54 : vector<1000x128xf32>
    %get3A_56 = arith.constant 0 : index
    %get3A_57 = arith.constant 0 : index
    %get3A_58 = vector.load %arg9[%get3A_56, %get3A_57] : memref<1x128xf32, #tpu.memory_space<vmem>>, vector<1x128xf32>
    %mul3A = vector.broadcast %get3A_58 : vector<1x128xf32> to vector<1000x128xf32>
    %mul3A_59 = arith.mulf %div3A_55, %mul3A : vector<1000x128xf32>
    %get3A_60 = arith.constant 0 : index
    %get3A_61 = arith.constant 0 : index
    %get3A_62 = vector.load %arg10[%get3A_60, %get3A_61] : memref<1x128xf32, #tpu.memory_space<vmem>>, vector<1x128xf32>
    %add3A_63 = vector.broadcast %get3A_62 : vector<1x128xf32> to vector<1000x128xf32>
    %add3A_64 = arith.addf %mul3A_59, %add3A_63 : vector<1000x128xf32>
    %get3A_65 = arith.constant 0 : index
    %get3A_66 = arith.constant 0 : index
    %get3A_67 = vector.load %arg5[%get3A_65, %get3A_66] : memref<128x512xf32, #tpu.memory_space<vmem>>, vector<128x512xf32>
    %dot_general3A_68 = arith.constant dense<0.000000e+00> : vector<1000x512xf32>
    %dot_general3A_69 = tpu.matmul %add3A_64, %get3A_67, %dot_general3A_68 {dimension_numbers = #tpu.dot_dimension_numbers<[1], [0], [0], [1], [0, 0, 1, 1], [], []>, transpose_lhs_hint = false} : vector<1000x128xf32>, vector<128x512xf32>, vector<1000x512xf32> -> vector<1000x512xf32>
    %get3A_70 = arith.constant 0 : index
    %get3A_71 = arith.constant 0 : index
    %get3A_72 = vector.load %arg6[%get3A_70, %get3A_71] : memref<1x512xf32, #tpu.memory_space<vmem>>, vector<1x512xf32>
    %add3A_73 = vector.broadcast %get3A_72 : vector<1x512xf32> to vector<1000x512xf32>
    %add3A_74 = arith.addf %dot_general3A_69, %add3A_73 : vector<1000x512xf32>
    %max3A = arith.constant 0.000000e+00 : f32
    %max3A_75 = vector.broadcast %max3A : f32 to vector<1000x512xf32>
    %max3A_76 = arith.maximumf %add3A_74, %max3A_75 : vector<1000x512xf32>
    %get3A_77 = arith.constant 0 : index
    %get3A_78 = arith.constant 0 : index
    %get3A_79 = vector.load %arg7[%get3A_77, %get3A_78] : memref<512x128xf32, #tpu.memory_space<vmem>>, vector<512x128xf32>
    %dot_general3A_80 = arith.constant dense<0.000000e+00> : vector<1000x128xf32>
    %dot_general3A_81 = tpu.matmul %max3A_76, %get3A_79, %dot_general3A_80 {dimension_numbers = #tpu.dot_dimension_numbers<[1], [0], [0], [1], [0, 0, 1, 1], [], []>, transpose_lhs_hint = false} : vector<1000x512xf32>, vector<512x128xf32>, vector<1000x128xf32> -> vector<1000x128xf32>
    %get3A_82 = arith.constant 0 : index
    %get3A_83 = arith.constant 0 : index
    %get3A_84 = vector.load %arg8[%get3A_82, %get3A_83] : memref<1x128xf32, #tpu.memory_space<vmem>>, vector<1x128xf32>
    %add3A_85 = vector.broadcast %get3A_84 : vector<1x128xf32> to vector<1000x128xf32>
    %add3A_86 = arith.addf %dot_general3A_81, %add3A_85 : vector<1000x128xf32>
    %add3A_87 = arith.addf %add3A_86, %add3A_36 : vector<1000x128xf32>
    %swap3A = arith.constant 0 : index
    %swap3A_88 = arith.constant 0 : index
    %swap3A_89 = vector.load %arg11[%swap3A, %swap3A_88] : memref<1000x128xf32, #tpu.memory_space<vmem>>, vector<1000x128xf32>
    tpu.vector_store %arg11[%swap3A, %swap3A_88], %add3A_87 {strides = array<i32>} : memref<1000x128xf32, #tpu.memory_space<vmem>>, vector<1000x128xf32>,
    return
  }
  func.func @transform_0(%arg0: i32) -> (i32, i32, i32) {
    %c0_i32 = arith.constant 0 : i32
    %c0_i32_0 = arith.constant 0 : i32
    %c0_i32_1 = arith.constant 0 : i32
    return %c0_i32, %arg0, %c0_i32_0 : i32, i32, i32
  }
  func.func @transform_1(%arg0: i32) -> (i32, i32, i32) {
    %c0_i32 = arith.constant 0 : i32
    %c0_i32_0 = arith.constant 0 : i32
    %c0_i32_1 = arith.constant 0 : i32
    return %c0_i32, %arg0, %c0_i32_0 : i32, i32, i32
  }
  func.func @transform_2(%arg0: i32) -> (i32, i32) {
    %c0_i32 = arith.constant 0 : i32
    %c0_i32_0 = arith.constant 0 : i32
    return %arg0, %c0_i32 : i32, i32
  }
  func.func @transform_3(%arg0: i32) -> (i32, i32) {
    %c0_i32 = arith.constant 0 : i32
    %c0_i32_0 = arith.constant 0 : i32
    %c0_i32_1 = arith.constant 0 : i32
    return %c0_i32, %c0_i32_0 : i32, i32
  }
  func.func @transform_4(%arg0: i32) -> (i32, i32) {
    %c0_i32 = arith.constant 0 : i32
    %c0_i32_0 = arith.constant 0 : i32
    %c0_i32_1 = arith.constant 0 : i32
    return %c0_i32, %c0_i32_0 : i32, i32
  }
  func.func @transform_5(%arg0: i32) -> (i32, i32) {
    %c0_i32 = arith.constant 0 : i32
    %c0_i32_0 = arith.constant 0 : i32
    %c0_i32_1 = arith.constant 0 : i32
    return %c0_i32, %c0_i32_0 : i32, i32
  }
  func.func @transform_6(%arg0: i32) -> (i32, i32) {
    %c0_i32 = arith.constant 0 : i32
    %c0_i32_0 = arith.constant 0 : i32
    %c0_i32_1 = arith.constant 0 : i32
    return %c0_i32, %c0_i32_0 : i32, i32
  }
  func.func @transform_7(%arg0: i32) -> (i32, i32) {
    %c0_i32 = arith.constant 0 : i32
    %c0_i32_0 = arith.constant 0 : i32
    %c0_i32_1 = arith.constant 0 : i32
    return %c0_i32, %c0_i32_0 : i32, i32
  }
  func.func @transform_8(%arg0: i32) -> (i32, i32) {
    %c0_i32 = arith.constant 0 : i32
    %c0_i32_0 = arith.constant 0 : i32
    %c0_i32_1 = arith.constant 0 : i32
    return %c0_i32, %c0_i32_0 : i32, i32
  }
  func.func @transform_9(%arg0: i32) -> (i32, i32) {
    %c0_i32 = arith.constant 0 : i32
    %c0_i32_0 = arith.constant 0 : i32
    %c0_i32_1 = arith.constant 0 : i32
    return %c0_i32, %c0_i32_0 : i32, i32
  }
  func.func @transform_10(%arg0: i32) -> (i32, i32) {
    %c0_i32 = arith.constant 0 : i32
    %c0_i32_0 = arith.constant 0 : i32
    return %arg0, %c0_i32 : i32, i32
  }
}

</mosaic_0001>

<sc_bundles>
// kernel: kernel.6.cloned.1.call-start
scs
__scs_entry_jumppad:
0x0: {  	(pc) =	sbr.rel $0x88, $3  }
0x1: {  	(tag) =	ssettag $0x0;
	lr =	simm.s32 $0x1  }
0x2: {  	[smem:$0x3F93] =	sst lr;
	_ =	strace $0xD0000000  }
0x3: {  	_ = 	snop  }
0x4: {  	_ = 	snop  }
0x5: {  	_ = 	snop  }
0x6: {  	_ = 	snop  }
0x7: {  	_ = 	snop  }
__scs_overlays_trampoline_lowered:
0x8: {  	[smem:$0x3FA2] =	sst s0  }
0x9: {  	[smem:$0x3FA3] =	sst s1  }
0xa: {  	[smem:$0x3FA4] =	sst s2  }
0xb: {  	[smem:$0x3FA5] =	sst s3  }
0xc: {  	[smem:$0x3FA6] =	sst s4  }
0xd: {  	[smem:$0x3FA7] =	sst s5  }
0xe: {  	[smem:$0x3FA8] =	sst s6  }
0xf: {  	[smem:$0x3FA9] =	sst s7  }
0x10: {  	[smem:$0x3FAA] =	sst s8  }
0x11: {  	[smem:$0x3FAB] =	sst s9;
	s0 =	simm.s32 @!p0 $0x0  }
0x12: {  	s1 =	sld [smem:$0x3F91];
	s0 =	simm.s32 @p0 $0x1  }
0x13: {  	[smem:$0x3FAC] =	sst s0;
	s0 =	simm.s32 @!p1 $0x0  }
0x14: {  	s2 =	sld [smem:$0x3F90];
	s0 =	simm.s32 @p1 $0x1  }
0x15: {  	[smem:$0x3FAD] =	sst s0;
	s0 =	simm.s32 @!p2 $0x0  }
0x16: {  	s3 =	sld [smem:$0x3FDB];
	s0 =	simm.s32 @p2 $0x1  }
0x17: {  	s4 =	simm.s32 $0x1BF5;
	[smem:$0x3FAF] =	sst s0  }
0x18: {  	s0 =	sld [smem:$0x3F92];
	_ =	swait.ge [sflag:s4], $0x0  }
0x19: {  	s7 =	sld [smem:$0x3F93]  }
0x1a: {  	s8 =	sadd.s32 $0xFFFFE003, lr  }
0x1b: {  	s9 =	sadd.s32 $0xFFFFFEF7, lr;
	s5 =	simm.s32 $0xFFFFFFFF;
	p2 =	slt.u32 s8, $0xFFFFF086  }
0x1c: {  	p1 =	slt.u32 s9, $0xF7A;
	s5 =	simm.s32 @!p2 $0x0  }
0x1d: {  	s5 =	simm.s32 @p1 $0x1;
	p0 =	seq.s32 s7, s2  }
0x1e: {  	s7 =	smul.u32 @!p0 $0xF7A, s2;
	p2 =	seq.s32 @!p0 s5, $0x0  }
0x1f: {  	s9 =	smul.u32 $0xF7A, s1;
	s8 =	simm.s32 @!p0 $0x1BF5;
	p2 =	por !p2, p0  }
0x20: {  	[sflag:s8] =	ssyncset.s32 @!p0 $0xFFFFF086;
	s6 =	sadd.s32 @!p0 s3, s7;
	s7 =	simm.s32 @!p0 $0x108  }
0x21: {  	s3 =	sadd.s32 s3, s9;
	s6 =	sadd.s32 @!p0 $0x88, s6;
	s7 =	simm.s32 @p2 $0x1082  }
0x22: {  	[simem:s7], [sflag:s8] =	dma.local @!p0 [hbm:s6], $0xF7A  }
0x23: {  	s9 =	sor.u32 $0xD0000000, s2;
	s6 =	simm.s32 $0x108;
	_ =	swait.ge @!p0 [sflag:s8], $0x0  }
0x24: {  	s3 =	sadd.s32 $0x88, s3;
	s6 =	simm.s32 @!p1 $0x1082;
	[sflag:s4] =	ssyncset.s32 $0xFFFFF086  }
0x25: {  	[simem:s6], [sflag:s4] =	dma.local [hbm:s3], $0xF7A  }
0x26: {  	[smem:$0x3F93] =	sst s1;
	(tag) =	ssettag s2;
	_ =	strace s9  }
0x27: {  	s1 =	sld [smem:$0x3FA3]  }
0x28: {  	s2 =	sld [smem:$0x3FA4]  }
0x29: {  	s4 =	sld [smem:$0x3FA6]  }
0x2a: {  	p0 =	seq.s32 s5, $0x0;
	s5 =	sld [smem:$0x3FA7]  }
0x2b: {  	s6 =	sld [smem:$0x3FA8]  }
0x2c: {  	s7 =	sld [smem:$0x3FA9]  }
0x2d: {  	s3 =	simm.s32 $0x108;
	s8 =	sld [smem:$0x3FAA]  }
0x2e: {  	s3 =	simm.s32 @!p0 $0x1082;
	s9 =	sld [smem:$0x3FAB]  }
0x2f: {  	lr =	sadd.s32 s0, s3;
	s0 =	sld [smem:$0x3FA2]  }
0x30: {  	s3 =	sld [smem:$0x3FA5]  }
0x31: {  	[smem:$0x3FAE] =	sst s10  }
0x32: {  	s10 =	sld [smem:$0x3FAC];
	_ =	sdelay $0x3  }
0x33: {  	p0 =	seq.s32 s10, $0x1;
	s10 =	sld [smem:$0x3FAE];
	_ =	sdelay $0x3  }
0x34: {  	[smem:$0x3FAE] =	sst s10  }
0x35: {  	s10 =	sld [smem:$0x3FAD];
	_ =	sdelay $0x3  }
0x36: {  	p1 =	seq.s32 s10, $0x1;
	s10 =	sld [smem:$0x3FAE];
	_ =	sdelay $0x3  }
0x37: {  	[smem:$0x3FAE] =	sst s10  }
0x38: {  	s10 =	sld [smem:$0x3FAF]  }
0x39: {  	_ = 	snop;
	(pc) =	sbr.ind lr, $3  }
0x3a: {  	_ = 	snop  }
0x3b: {  	_ = 	snop  }
0x3c: {  	p2 =	seq.s32 s10, $0x1;
	s10 =	sld [smem:$0x3FAE]  }
0x3d: {  	_ =	shalt  }
0x3e: {  	_ =	shalt  }
0x3f: {  	_ =	shalt  }
0x40: {  	_ =	shalt  }
0x41: {  	_ =	shalt  }
0x42: {  	_ =	shalt  }
0x43: {  	_ =	shalt  }
0x44: {  	_ =	shalt  }
0x45: {  	_ =	shalt  }
0x46: {  	_ =	shalt  }
0x47: {  	_ =	shalt  }
0x48: {  	_ =	shalt  }
0x49: {  	_ =	shalt  }
0x4a: {  	_ =	shalt  }
0x4b: {  	_ =	shalt  }
0x4c: {  	_ =	shalt  }
0x4d: {  	_ =	shalt  }
0x4e: {  	_ =	shalt  }
0x4f: {  	_ =	shalt  }
0x50: {  	_ =	shalt  }
0x51: {  	_ =	shalt  }
0x52: {  	_ =	shalt  }
0x53: {  	_ =	shalt  }
0x54: {  	_ =	shalt  }
0x55: {  	_ =	shalt  }
0x56: {  	_ =	shalt  }
0x57: {  	_ =	shalt  }
0x58: {  	_ =	shalt  }
0x59: {  	_ =	shalt  }
0x5a: {  	_ =	shalt  }
0x5b: {  	_ =	shalt  }
0x5c: {  	_ =	shalt  }
0x5d: {  	_ =	shalt  }
0x5e: {  	_ =	shalt  }
0x5f: {  	_ =	shalt  }
0x60: {  	_ =	shalt  }
0x61: {  	_ =	shalt  }
0x62: {  	_ =	shalt  }
0x63: {  	_ =	shalt  }
0x64: {  	_ =	shalt  }
0x65: {  	_ =	shalt  }
0x66: {  	_ =	shalt  }
0x67: {  	_ =	shalt  }
0x68: {  	_ =	shalt  }
0x69: {  	_ =	shalt  }
0x6a: {  	_ =	shalt  }
0x6b: {  	_ =	shalt  }
0x6c: {  	_ =	shalt  }
0x6d: {  	_ =	shalt  }
0x6e: {  	_ =	shalt  }
0x6f: {  	_ =	shalt  }
0x70: {  	_ =	shalt  }
0x71: {  	_ =	shalt  }
0x72: {  	_ =	shalt  }
0x73: {  	_ =	shalt  }
0x74: {  	_ =	shalt  }
0x75: {  	_ =	shalt  }
0x76: {  	_ =	shalt  }
0x77: {  	_ =	shalt  }
0x78: {  	_ =	shalt  }
0x79: {  	_ =	shalt  }
0x7a: {  	_ =	shalt  }
0x7b: {  	_ =	shalt  }
0x7c: {  	_ =	shalt  }
0x7d: {  	_ =	shalt  }
0x7e: {  	_ =	shalt  }
0x7f: {  	_ =	shalt  }
0x80: {  	_ =	shalt  }
0x81: {  	_ =	shalt  }
0x82: {  	_ =	shalt  }
0x83: {  	_ =	shalt  }
0x84: {  	_ =	shalt  }
0x85: {  	_ =	shalt  }
0x86: {  	_ =	shalt  }
0x87: {  	_ =	shalt  }
.Lfunc_end0:
.L_simem_size_0:
called_computation_lowered:
.L_overlay_start_0:
0x88: {  	s2 =	sld [smem:$0x3FD9]  }
0x89: {  	s3 =	sld [smem:$0x3FFE];
	_ =	sdelay $0x1  }
0x8a: {  	s1 =	srdreg.scid  }
0x8b: {  	s0 =	sand.u32 $0x1, s1  }
0x8c: {  	s17 =	sshll.u32 s0, $0xA;
	s2 =	sadd.s32 s3, s2  }
0x8d: {  	s2 =	sadd.s32 s2, s17  }
0x8e: {  	[smem:$0x3FBA] =	sst s2  }
0x8f: {  	_ = 	snop  }
0x90: {  	s2 =	sld [smem:$0x3FD0];
	(tm) =	ssettm $0x1  }
0x91: {  	s18 =	sld [smem:$0x3FFB];
	_ =	sdelay $0x3  }
0x92: {  	_ =	strace s18  }
0x93: {  	s3 =	sld [smem:$0x3FFC];
	_ =	sdelay $0x3  }
0x94: {  	_ =	strace s3  }
0x95: {  	s3 =	sld [smem:$0x3FFD];
	_ =	sdelay $0x3  }
0x96: {  	_ =	strace s3  }
0x97: {  	_ =	strace $0x8FFFFFFF  }
0x98: {  	s19 =	sld [smem:$0x3FDB];
	_ =	sdelay $0x1  }
0x99: {  	s4 =	simm.s32 $_scs_section_size  }
0x9a: {  	s5 =	simm.s32 $_size__tile_overlayer_lowered;
	s6 =	simm.s32 $_tile_overlayer_lowered  }
0x9b: {  	s22 =	simm.s32 $0x1BFF;
	s21 =	sshll.u32 s6, $0x1;
	s3 =	sadd.s32 s4, s19  }
0x9c: {  	s7 =	simm.s32 $0x0;
	s20 =	sshll.u32 s5, $0x1;
	s5 =	sadd.s32 s21, s3  }
0x9d: {  	[timem:s7], [sflag:s22] =	dma.local [hbm:s5], s20  }
0x9e: {  	_ =	swait.ge [sflag:s22], s20  }
0x9f: {  	s4 =	ssub.s32 $0x0, s20;
	[sflag:s22] =	ssyncset.done $0x0  }
0xa0: {  	[sflag:s22] =	ssyncadd.s32 s4;
	_ =	sdelay $0x1  }
0xa1: {  	s23 =	simm.s32 $0x1B8B  }
0xa2: {  	_ =	swait.ge [sflag:s23], $0x1  }
0xa3: {  	[sflag:s23] =	ssyncset.done $0x0  }
0xa4: {  	s25 =	simm.s32 $0x1B8E;
	s24 =	sld [smem:$0x3FFE];
	[sflag:s23] =	ssyncadd.s32 $0xFFFFFFFF  }
0xa5: {  	s26 =	simm.s32 $execute0_lowered;
	[smem:$0x3FD2] =	sst s25  }
0xa6: {  	s5 =	sshll.u32 s26, $0x1;
	_ =	strace $0x80000046;
	[dreg:$0x1] =	wrdreg $0xFFFFFFFF  }
0xa7: {  	s28 =	simm.s32 $_size_execute0_lowered;
	s3 =	sadd.s32 s3, s5;
	[dreg:$0x0] =	wrdreg $0x0  }
0xa8: {  	s5 =	sshll.u32 s28, $0x1;
	[dreg:$0x2] =	wrdreg s3  }
0xa9: {  	[dreg:$0x3] =	wrdreg s5  }
0xaa: {  	[dreg:$0x4] =	wrdreg $0xC0  }
0xab: {  	_ =	task [dreg:s7], $0x5FFFF  }
0xac: {  	[dreg:$0x1] =	wrdreg $0xFFFFFFFF  }
0xad: {  	[dreg:$0x0] =	wrdreg $0x60  }
0xae: {  	[dreg:$0x2] =	wrdreg s24  }
0xaf: {  	[dreg:$0x3] =	wrdreg s2  }
0xb0: {  	[dreg:$0x4] =	wrdreg $0x52800  }
0xb1: {  	[dreg:$0x5] =	wrdreg $0x18B000  }
0xb2: {  	[dreg:$0x6] =	wrdreg $0x9  }
0xb3: {  	_ =	task.clear_ibuf [dreg:s7], $0x7FFFF;
	_ =	strace $0x90000046  }
0xb4: {  	s29 =	simm.s32 $0x9;
	_ =	strace $0x80000048  }
0xb5: {  	_ =	swait.ge [sflag:s29], $0x1  }
0xb6: {  	[sflag:s29] =	ssyncadd.s32 $0xFFFFFFFF  }
0xb7: {  	_ =	strace $0x90000048  }
0xb8: {  	_ =	sfence  }
0xb9: {  	s30 =	sld [smem:$0x0];
	_ =	sdelay $0x2  }
0xba: {  	s31 =	sshll.u32 s1, $0xD;
	s1 =	sshrl.u32 s1, $0x2  }
0xbb: {  	s3 =	sand.u32 $0x4000, s31;
	s1 =	sadd.s32 s1, s30  }
0xbc: {  	s0 =	sor.u32 s3, s0;
	s1 =	sshll.u32 s1, $0x11  }
0xbd: {  	s0 =	sor.u32 s1, s0  }
0xbe: {  	s0 =	sadd.s32 $0x8F2B, s0  }
0xbf: {  	[sflag:s0] =	ssyncadd.remote.s32 $0x1  }
0xc0: {  	_ =	sfence.sel $0xFFFF  }
0xc1: {  	[dreg:$0x0] =	wrdreg $0xFFFFFFFF;
	(pc) =	sbr.abs _section_cstart, $3  }
0xc2: {  	[dreg:$0x1] =	wrdreg $0xFFFFFFFF  }
0xc3: {  	_ =	task.clear_ibuf [dreg:s7], $0x2FFFF;
	_ =	strace $0x9FFFFFFF  }
0xc4: {  	(tm) =	ssettm $0x7FFFFFFF  }
0xc5: {  	_ =	shalt  }
tec
execute0_lowered:
.L_overlay_start_1:
0x0: {  	(tag) =	ssettag $0x1  }
0x1: {  	s0 =	rddreg [dreg:$0x0]  }
0x2: {  	s7 =	rddreg [dreg:$0x1]  }
0x3: {  	s1 =	rddreg [dreg:$0x2]  }
0x4: {  	s3 =	rddreg [dreg:$0x3]  }
0x5: {  	s4 =	simm.s32 $0x0;
	s5 =	srdreg.scid;
	s2 =	stileid.u32  }
0x6: {  	[smem:$0x7FF] =	sst s4;
	s10 =	sand.u32 $0x1, s5;
	s9 =	smul.u32 $0x280, s2  }
0x7: {  	s5 =	sadd.s32 $0x1A00, s0;
	s6 =	sadd.s32 $0x4F7600, s0;
	s12 =	smul.u32 $0x50000, s2  }
0x8: {  	s8 =	sadd.s32 $0x4FC00, s0;
	s13 =	smul.u32 $0x50, s2;
	_ =	strace $0x80000047  }
0x9: {  	s11 =	smul.u32 $0x2710, s10;
	[dreg:$0x5] =	wrdreg s8;
	s26 =	ssub.s32 $0x2, s10  }
0xa: {  	s8 =	sadd.s32 $0x4ED800, s0;
	s15 =	smul.u32 $0x500, s10;
	s14 =	sshrl.u32 s26, $0x1  }
0xb: {  	s12 =	sshrl.u32 s12, $0x2;
	s11 =	sadd.s32 s9, s11;
	s9 =	sadd.s32 $0x4E3A00, s0  }
0xc: {  	s16 =	sadd.s32 s13, s15;
	s13 =	sadd.s32 $0x12D000, s1;
	s11 =	sshll.u32 s11, $0x4  }
0xd: {  	s14 =	ssub.s32 s26, s14;
	[smem:$0x7F0] =	sst s13;
	s0 =	sadd.s32 s11, s0  }
0xe: {  	s11 =	sadd.s32 s12, s1;
	s12 =	sshll.u32 s16, $0x4;
	s16 =	smax.u32 s14, $0x1  }
0xf: {  	s14 =	sadd.s32 $0x12E000, s1;
	[dreg:$0x13] =	wrdreg s16  }
0x10: {  	s17 =	sadd.s32 $0x1000, s11;
	[smem:$0x7F1] =	sst s14  }
0x11: {  	s18 =	sadd.s32 $0x2000, s11;
	[dreg:$0x6] =	wrdreg s17  }
0x12: {  	s19 =	sadd.s32 $0x3000, s11;
	[dreg:$0x7] =	wrdreg s18  }
0x13: {  	s20 =	sadd.s32 $0x4000, s11;
	[dreg:$0x8] =	wrdreg s19  }
0x14: {  	s21 =	sadd.s32 $0x5000, s11;
	[dreg:$0x9] =	wrdreg s20  }
0x15: {  	s22 =	sadd.s32 $0x6000, s11;
	[dreg:$0xa] =	wrdreg s21  }
0x16: {  	s23 =	sadd.s32 $0x7000, s11;
	[dreg:$0xb] =	wrdreg s22  }
0x17: {  	s25 =	sadd.s32 $0x8000, s11;
	[dreg:$0xc] =	wrdreg s23  }
0x18: {  	s26 =	sadd.s32 $0x9000, s11;
	[dreg:$0xd] =	wrdreg s25  }
0x19: {  	s7 =	sadd.s32 s7, s12;
	[dreg:$0xe] =	wrdreg s26  }
0x1a: {  	s24 =	smul.u32 $0xA000, s2;
	s12 =	sadd.s32 $0xA000, s11;
	[dreg:$0xf] =	wrdreg s7  }
0x1b: {  	s0 =	sadd.s32 $0x4FE00, s0;
	[dreg:$0x10] =	wrdreg s12  }
0x1c: {  	s15 =	sshrl.u32 s24, $0x2;
	s24 =	sadd.s32 $0x12000, s11;
	[dreg:$0x12] =	wrdreg s0  }
0x1d: {  	s16 =	sadd.s32 $0x130000, s1;
	[dreg:$0x1b] =	wrdreg s24  }
0x1e: {  	s17 =	sadd.s32 $0xB000, s11;
	[smem:$0x7F3] =	sst s16  }
0x1f: {  	s18 =	sadd.s32 $0xC000, s11;
	[dreg:$0x14] =	wrdreg s17  }
0x20: {  	s19 =	sadd.s32 $0xD000, s11;
	[dreg:$0x15] =	wrdreg s18  }
0x21: {  	s20 =	sadd.s32 $0xE000, s11;
	[dreg:$0x16] =	wrdreg s19  }
0x22: {  	s21 =	sadd.s32 $0xF000, s11;
	[dreg:$0x17] =	wrdreg s20  }
0x23: {  	s22 =	sadd.s32 $0x10000, s11;
	[dreg:$0x18] =	wrdreg s21  }
0x24: {  	s23 =	sadd.s32 $0x11000, s11;
	[dreg:$0x19] =	wrdreg s22  }
0x25: {  	s25 =	sadd.s32 $0x13000, s11;
	[dreg:$0x1a] =	wrdreg s23  }
0x26: {  	s7 =	sadd.s32 s15, s3;
	[dreg:$0x1c] =	wrdreg s25  }
0x27: {  	s12 =	sadd.s32 $0x12C000, s1;
	[dreg:$0x11] =	wrdreg s7  }
0x28: {  	s15 =	sadd.s32 $0x12F000, s1;
	[dreg:$0x1f] =	wrdreg s12  }
0x29: {  	s24 =	sadd.s32 $0x138000, s1;
	[smem:$0x7F2] =	sst s15  }
0x2a: {  	s26 =	sadd.s32 $0x1000, s7;
	[smem:$0x7FB] =	sst s24  }
0x2b: {  	s7 =	sadd.s32 $0x2000, s7;
	[dreg:$0x1d] =	wrdreg s26  }
0x2c: {  	s17 =	sadd.s32 $0x131000, s1;
	[dreg:$0x1e] =	wrdreg s7  }
0x2d: {  	s28 =	simm.s32 $0xA00;
	s18 =	sadd.s32 $0x132000, s1;
	[smem:$0x7F4] =	sst s17  }
0x2e: {  	s29 =	simm.s32 $0x1A00;
	s19 =	sadd.s32 $0x133000, s1;
	[smem:$0x7F5] =	sst s18  }
0x2f: {  	s30 =	simm.s32 $0x1;
	s20 =	sadd.s32 $0x134000, s1;
	[smem:$0x7F6] =	sst s19  }
0x30: {  	s31 =	simm.s32 $0x20;
	s21 =	sadd.s32 $0x135000, s1;
	[smem:$0x7F7] =	sst s20  }
0x31: {  	p0 =	seq.s32 s2, $0xF;
	s22 =	sadd.s32 $0x136000, s1;
	[smem:$0x7F8] =	sst s21  }
.Ltmp0:
0x32: {  	v3 =	vlaneseq.u32;
	v0 =	vimm.f32 $0.0e+00;
	vm0 =	vmmov $0xffff;
	s23 =	sadd.s32 $0x137000, s1;
	[smem:$0x7F9] =	sst s22;
	(pc) =	sbr.rel .LBB2_1-.Ltmp0, $4  }
0x33: {  	v4 =	vimm.s32 $0x0;
	v5 =	vimm.s32 $0x1;
	v6 =	vimm.s32 $0x2;
	s10 =	sshll.u32 s10, $0x4;
	s25 =	sadd.s32 $0x25800, s3;
	[smem:$0x7FA] =	sst s23  }
0x34: {  	v7 =	vimm.s32 $0x3;
	v8 =	vimm.s32 $0x4;
	v9 =	vimm.s32 $0x5;
	s16 =	simm.s32 $0x3200;
	s0 =	simm.s32 $0x100;
	[smem:$0x7FC] =	sst s25  }
0x35: {  	v10 =	vimm.s32 $0x6;
	v11 =	vimm.s32 $0x7;
	v2 =	vshrl.u32 v3, $0x3;
	s26 =	sadd.s32 $0x26800, s3;
	s18 =	simm.s32 $0x2;
	s22 =	simm.s32 $0x80  }
0x36: {  	v1 =	vand.u32 $0x7, v3;
	v3 =	vor.u32 $0x8, v3;
	v2 =	vmul.u32 $0x8, v2;
	s20 =	simm.s32 $0x1200;
	[smem:$0x7FD] =	sst s26;
	s26 =	simm.s32 $0x200  }
.LBB2_14:
0x37: {  	[bflag:$0x0] =	sbarrier.arrive $0xFFFF  }
0x38: {  	s7 =	rddreg [dreg:$0x1f]  }
0x39: {  	s12 =	simm.s32 @p0 $0x1FC2;
	s15 =	rddreg [dreg:$0x12];
	s7 =	sshrl.u32 @p0 s7, $0x3  }
0x3a: {  	[hbm:s15], [sflag:s12] =	dma.local @p0 [spmem:s7], $0x1900  }
0x3b: {  	s7 =	simm.s32 @p0 $0x2  }
0x3c: {  	_ =	swait.ge @p0 [sflag:s7], $0x1900  }
0x3d: {  	s13 =	sld [smem:$0x7FC];
	_ =	sdelay $0x1  }
0x3e: {  	[sflag:s7] =	ssyncset.done @p0 $0x0  }
0x3f: {  	s14 =	rddreg [dreg:$0xf];
	[sflag:s7] =	ssyncadd.s32 @p0 $0xFFFFE700;
	s13 =	sshrl.u32 @p0 s13, $0x3  }
0x40: {  	[hbm:s14], [sflag:s12] =	dma.local @p0 [spmem:s13], $0x380  }
0x41: {  	_ =	swait.ge @p0 [sflag:s7], $0x380  }
0x42: {  	s12 =	sshll.u32 @!p0 s2, $0x6;
	[sflag:s7] =	ssyncset.done @p0 $0x0  }
0x43: {  	[sflag:s7] =	ssyncadd.s32 @p0 $0xFFFFFC80;
	s7 =	sor.u32 @!p0 $0x1C02, s12;
	s12 =	sshrl.u32 @!p0 s11, $0x3  }
0x44: {  	[hbm:s15], [sflag:s7] =	dma.local @!p0 [spmem:s12], $0x2800  }
0x45: {  	s12 =	simm.s32 @!p0 $0x2  }
0x46: {  	_ =	swait.ge @!p0 [sflag:s12], $0x2800  }
0x47: {  	[sflag:s12] =	ssyncset.done @!p0 $0x0;
	s13 =	rddreg [dreg:$0x11]  }
0x48: {  	[sflag:s12] =	ssyncadd.s32 @!p0 $0xFFFFD800;
	s13 =	sshrl.u32 @!p0 s13, $0x3  }
0x49: {  	[hbm:s14], [sflag:s7] =	dma.local @!p0 [spmem:s13], $0x500  }
0x4a: {  	_ =	swait.ge @!p0 [sflag:s12], $0x500  }
0x4b: {  	s4 =	sadd.s32 $0x1, s4;
	s25 =	rddreg [dreg:$0x13]  }
0x4c: {  	p1 =	sne.s32 s4, s25  }
.Ltmp1:
0x4d: {  	_ = 	snop;
	(pc) =	sbr.rel @!p1 .LBB2_15-.Ltmp1, $3  }
0x4e: {  	_ =	sdelay $0x1  }
0x4f: {  	[sflag:s12] =	ssyncset.done @!p0 $0x0  }
0x50: {  	[sflag:s12] =	ssyncadd.s32 @!p0 $0xFFFFFB00  }
.LBB2_1:
0x51: {  	s7 =	simm.s32 $0x0;
	s12 =	simm.s32 $0x200  }
.LBB2_2:
0x52: {  	p1 =	sne.s32 s12, $0x3E00;
	[tilespmem:s7+$0x4270] =	vst v0  }
0x53: {  	[tilespmem:s7+$0x3200] =	vst v0  }
0x54: {  	[tilespmem:s7+$0x4200] =	vst v0  }
0x55: {  	[tilespmem:s7+$0x3210] =	vst v0  }
0x56: {  	[tilespmem:s7+$0x4210] =	vst v0  }
0x57: {  	[tilespmem:s7+$0x3220] =	vst v0  }
0x58: {  	[tilespmem:s7+$0x4220] =	vst v0  }
0x59: {  	[tilespmem:s7+$0x3230] =	vst v0  }
0x5a: {  	[tilespmem:s7+$0x4230] =	vst v0  }
0x5b: {  	[tilespmem:s7+$0x3240] =	vst v0  }
0x5c: {  	[tilespmem:s7+$0x4240] =	vst v0  }
.Ltmp2:
0x5d: {  	[tilespmem:s7+$0x3250] =	vst v0;
	(pc) =	sbr.rel @p1 .LBB2_2-.Ltmp2, $4  }
0x5e: {  	[tilespmem:s7+$0x4250] =	vst v0  }
0x5f: {  	[tilespmem:s7+$0x3260] =	vst v0  }
0x60: {  	[tilespmem:s7+$0x4260] =	vst v0  }
0x61: {  	[tilespmem:s7+$0x3270] =	vst v0;
	s7 =	sshra.s32 s12, $0x2;
	s12 =	sadd.s32 $0x200, s12  }
0x62: {  	[tilespmem:s7+$0x4270] =	vst v0  }
0x63: {  	[tilespmem:s7+$0x3200] =	vst v0  }
0x64: {  	[tilespmem:s7+$0x4200] =	vst v0  }
0x65: {  	[tilespmem:s7+$0x3210] =	vst v0  }
0x66: {  	[tilespmem:s7+$0x4210] =	vst v0  }
0x67: {  	[tilespmem:s7+$0x3220] =	vst v0  }
0x68: {  	[tilespmem:s7+$0x4220] =	vst v0  }
0x69: {  	[tilespmem:s7+$0x3230] =	vst v0  }
0x6a: {  	[tilespmem:s7+$0x4230] =	vst v0  }
0x6b: {  	[tilespmem:s7+$0x3240] =	vst v0  }
0x6c: {  	[tilespmem:s7+$0x4240] =	vst v0  }
.Ltmp3:
0x6d: {  	[tilespmem:s7+$0x3250] =	vst v0;
	(pc) =	sbr.rel @!p0 .LBB2_4-.Ltmp3, $4  }
0x6e: {  	[tilespmem:s7+$0x4250] =	vst v0  }
0x6f: {  	[tilespmem:s7+$0x3260] =	vst v0  }
0x70: {  	[tilespmem:s7+$0x4260] =	vst v0  }
0x71: {  	[tilespmem:s7+$0x3270] =	vst v0  }
0x72: {  	s7 =	rddreg [dreg:$0x1f]  }
0x73: {  	[spmem:s7] =	stream.linear.scatter [tilespmem:s16], [sflag:$0x2], $0x1000, $0x38;
	[tilespmem:$0x1B240] =	vst v63  }
0x74: {  	_ =	swait.ge [sflag:s18], $0x1000  }
0x75: {  	s21 =	sld [smem:$0x7F0]  }
0x76: {  	[sflag:s18] =	ssyncset.done $0x0  }
0x77: {  	[sflag:s18] =	ssyncadd.s32 $0xFFFFF000  }
0x78: {  	[spmem:s21] =	stream.linear.scatter [tilespmem:s16], [sflag:$0x2], $0x1000, $0x38;
	[tilespmem:$0x1B240] =	vst v63  }
0x79: {  	_ =	swait.ge [sflag:s18], $0x1000  }
0x7a: {  	s23 =	sld [smem:$0x7F1]  }
0x7b: {  	[sflag:s18] =	ssyncset.done $0x0  }
0x7c: {  	[sflag:s18] =	ssyncadd.s32 $0xFFFFF000  }
0x7d: {  	[spmem:s23] =	stream.linear.scatter [tilespmem:s16], [sflag:$0x2], $0x1000, $0x38;
	[tilespmem:$0x1B240] =	vst v63  }
0x7e: {  	_ =	swait.ge [sflag:s18], $0x1000  }
0x7f: {  	s24 =	sld [smem:$0x7F2]  }
0x80: {  	[sflag:s18] =	ssyncset.done $0x0  }
0x81: {  	[sflag:s18] =	ssyncadd.s32 $0xFFFFF000  }
0x82: {  	[spmem:s24] =	stream.linear.scatter [tilespmem:s16], [sflag:$0x2], $0x1000, $0x38;
	[tilespmem:$0x1B240] =	vst v63  }
0x83: {  	_ =	swait.ge [sflag:s18], $0x1000  }
0x84: {  	s25 =	sld [smem:$0x7F3]  }
0x85: {  	[sflag:s18] =	ssyncset.done $0x0  }
0x86: {  	[sflag:s18] =	ssyncadd.s32 $0xFFFFF000  }
0x87: {  	[spmem:s25] =	stream.linear.scatter [tilespmem:s16], [sflag:$0x2], $0x1000, $0x38;
	[tilespmem:$0x1B240] =	vst v63  }
0x88: {  	_ =	swait.ge [sflag:s18], $0x1000  }
0x89: {  	s12 =	sld [smem:$0x7F4]  }
0x8a: {  	[sflag:s18] =	ssyncset.done $0x0  }
0x8b: {  	[sflag:s18] =	ssyncadd.s32 $0xFFFFF000  }
0x8c: {  	[spmem:s12] =	stream.linear.scatter [tilespmem:s16], [sflag:$0x2], $0x1000, $0x38;
	[tilespmem:$0x1B240] =	vst v63  }
0x8d: {  	_ =	swait.ge [sflag:s18], $0x1000  }
0x8e: {  	s13 =	sld [smem:$0x7F5]  }
0x8f: {  	[sflag:s18] =	ssyncset.done $0x0  }
0x90: {  	[sflag:s18] =	ssyncadd.s32 $0xFFFFF000  }
0x91: {  	[spmem:s13] =	stream.linear.scatter [tilespmem:s16], [sflag:$0x2], $0x1000, $0x38;
	[tilespmem:$0x1B240] =	vst v63  }
0x92: {  	_ =	swait.ge [sflag:s18], $0x1000  }
0x93: {  	s14 =	sld [smem:$0x7F6]  }
0x94: {  	[sflag:s18] =	ssyncset.done $0x0  }
0x95: {  	[sflag:s18] =	ssyncadd.s32 $0xFFFFF000  }
0x96: {  	[spmem:s14] =	stream.linear.scatter [tilespmem:s16], [sflag:$0x2], $0x1000, $0x38;
	[tilespmem:$0x1B240] =	vst v63  }
0x97: {  	_ =	swait.ge [sflag:s18], $0x1000  }
0x98: {  	s15 =	sld [smem:$0x7F7]  }
0x99: {  	[sflag:s18] =	ssyncset.done $0x0  }
0x9a: {  	[sflag:s18] =	ssyncadd.s32 $0xFFFFF000  }
0x9b: {  	[spmem:s15] =	stream.linear.scatter [tilespmem:s16], [sflag:$0x2], $0x1000, $0x38;
	[tilespmem:$0x1B240] =	vst v63  }
0x9c: {  	_ =	swait.ge [sflag:s18], $0x1000  }
0x9d: {  	s17 =	sld [smem:$0x7F8]  }
0x9e: {  	[sflag:s18] =	ssyncset.done $0x0  }
0x9f: {  	[sflag:s18] =	ssyncadd.s32 $0xFFFFF000  }
0xa0: {  	[spmem:s17] =	stream.linear.scatter [tilespmem:s16], [sflag:$0x2], $0x1000, $0x38;
	[tilespmem:$0x1B240] =	vst v63  }
0xa1: {  	_ =	swait.ge [sflag:s18], $0x1000  }
0xa2: {  	s19 =	sld [smem:$0x7F9]  }
0xa3: {  	[sflag:s18] =	ssyncset.done $0x0  }
0xa4: {  	[sflag:s18] =	ssyncadd.s32 $0xFFFFF000  }
0xa5: {  	[spmem:s19] =	stream.linear.scatter [tilespmem:s16], [sflag:$0x2], $0x1000, $0x38;
	[tilespmem:$0x1B240] =	vst v63  }
0xa6: {  	_ =	swait.ge [sflag:s18], $0x1000  }
0xa7: {  	s21 =	sld [smem:$0x7FA]  }
0xa8: {  	[sflag:s18] =	ssyncset.done $0x0  }
0xa9: {  	[sflag:s18] =	ssyncadd.s32 $0xFFFFF000  }
0xaa: {  	[spmem:s21] =	stream.linear.scatter [tilespmem:s16], [sflag:$0x2], $0x1000, $0x38;
	[tilespmem:$0x1B240] =	vst v63  }
0xab: {  	_ =	swait.ge [sflag:s18], $0x1000  }
0xac: {  	s23 =	sld [smem:$0x7FB]  }
0xad: {  	[sflag:s18] =	ssyncset.done $0x0  }
0xae: {  	[sflag:s18] =	ssyncadd.s32 $0xFFFFF000  }
0xaf: {  	[spmem:s23] =	stream.linear.scatter [tilespmem:s16], [sflag:$0x2], $0x800, $0x38;
	[tilespmem:$0x1B240] =	vst v63  }
0xb0: {  	_ =	swait.ge [sflag:s18], $0x800  }
0xb1: {  	s24 =	sld [smem:$0x7FC]  }
0xb2: {  	[sflag:s18] =	ssyncset.done $0x0  }
0xb3: {  	s12 =	simm.s32 $0x4200;
	[sflag:s18] =	ssyncadd.s32 $0xFFFFF800  }
0xb4: {  	[spmem:s24] =	stream.linear.scatter [tilespmem:s12], [sflag:$0x2], $0x1000, $0x38;
	[tilespmem:$0x1B240] =	vst v63  }
0xb5: {  	_ =	swait.ge [sflag:s18], $0x1000  }
0xb6: {  	s25 =	sld [smem:$0x7FD]  }
0xb7: {  	[sflag:s18] =	ssyncset.done $0x0  }
.Ltmp4:
0xb8: {  	[sflag:s18] =	ssyncadd.s32 $0xFFFFF000;
	(pc) =	sbr.rel .LBB2_6-.Ltmp4, $4  }
0xb9: {  	[spmem:s25] =	stream.linear.scatter [tilespmem:s12], [sflag:$0x2], $0x900, $0x38;
	[tilespmem:$0x1B240] =	vst v63  }
0xba: {  	_ =	swait.ge [sflag:s18], $0x900  }
0xbb: {  	[sflag:s18] =	ssyncset.done $0x0  }
0xbc: {  	[sflag:s18] =	ssyncadd.s32 $0xFFFFF700  }
.LBB2_4:
0xbd: {  	[spmem:s11] =	stream.linear.scatter [tilespmem:s16], [sflag:$0x2], $0x1000, $0x38;
	[tilespmem:$0x1B240] =	vst v63  }
0xbe: {  	_ =	swait.ge [sflag:s18], $0x1000  }
0xbf: {  	[sflag:s18] =	ssyncset.done $0x0  }
0xc0: {  	s7 =	rddreg [dreg:$0x6];
	[sflag:s18] =	ssyncadd.s32 $0xFFFFF000  }
0xc1: {  	[spmem:s7] =	stream.linear.scatter [tilespmem:s16], [sflag:$0x2], $0x1000, $0x38;
	[tilespmem:$0x1B240] =	vst v63  }
0xc2: {  	_ =	swait.ge [sflag:s18], $0x1000  }
0xc3: {  	[sflag:s18] =	ssyncset.done $0x0  }
0xc4: {  	s25 =	rddreg [dreg:$0x7];
	[sflag:s18] =	ssyncadd.s32 $0xFFFFF000  }
0xc5: {  	[spmem:s25] =	stream.linear.scatter [tilespmem:s16], [sflag:$0x2], $0x1000, $0x38;
	[tilespmem:$0x1B240] =	vst v63  }
0xc6: {  	_ =	swait.ge [sflag:s18], $0x1000  }
0xc7: {  	[sflag:s18] =	ssyncset.done $0x0  }
0xc8: {  	s12 =	rddreg [dreg:$0x8];
	[sflag:s18] =	ssyncadd.s32 $0xFFFFF000  }
0xc9: {  	[spmem:s12] =	stream.linear.scatter [tilespmem:s16], [sflag:$0x2], $0x1000, $0x38;
	[tilespmem:$0x1B240] =	vst v63  }
0xca: {  	_ =	swait.ge [sflag:s18], $0x1000  }
0xcb: {  	[sflag:s18] =	ssyncset.done $0x0  }
0xcc: {  	s13 =	rddreg [dreg:$0x9];
	[sflag:s18] =	ssyncadd.s32 $0xFFFFF000  }
0xcd: {  	[spmem:s13] =	stream.linear.scatter [tilespmem:s16], [sflag:$0x2], $0x1000, $0x38;
	[tilespmem:$0x1B240] =	vst v63  }
0xce: {  	_ =	swait.ge [sflag:s18], $0x1000  }
0xcf: {  	[sflag:s18] =	ssyncset.done $0x0  }
0xd0: {  	s14 =	rddreg [dreg:$0xa];
	[sflag:s18] =	ssyncadd.s32 $0xFFFFF000  }
0xd1: {  	[spmem:s14] =	stream.linear.scatter [tilespmem:s16], [sflag:$0x2], $0x1000, $0x38;
	[tilespmem:$0x1B240] =	vst v63  }
0xd2: {  	_ =	swait.ge [sflag:s18], $0x1000  }
0xd3: {  	[sflag:s18] =	ssyncset.done $0x0  }
0xd4: {  	s15 =	rddreg [dreg:$0xb];
	[sflag:s18] =	ssyncadd.s32 $0xFFFFF000  }
0xd5: {  	[spmem:s15] =	stream.linear.scatter [tilespmem:s16], [sflag:$0x2], $0x1000, $0x38;
	[tilespmem:$0x1B240] =	vst v63  }
0xd6: {  	_ =	swait.ge [sflag:s18], $0x1000  }
0xd7: {  	[sflag:s18] =	ssyncset.done $0x0  }
0xd8: {  	s17 =	rddreg [dreg:$0xc];
	[sflag:s18] =	ssyncadd.s32 $0xFFFFF000  }
0xd9: {  	[spmem:s17] =	stream.linear.scatter [tilespmem:s16], [sflag:$0x2], $0x1000, $0x38;
	[tilespmem:$0x1B240] =	vst v63  }
0xda: {  	_ =	swait.ge [sflag:s18], $0x1000  }
0xdb: {  	[sflag:s18] =	ssyncset.done $0x0  }
0xdc: {  	s19 =	rddreg [dreg:$0xd];
	[sflag:s18] =	ssyncadd.s32 $0xFFFFF000  }
0xdd: {  	[spmem:s19] =	stream.linear.scatter [tilespmem:s16], [sflag:$0x2], $0x1000, $0x38;
	[tilespmem:$0x1B240] =	vst v63  }
0xde: {  	_ =	swait.ge [sflag:s18], $0x1000  }
0xdf: {  	[sflag:s18] =	ssyncset.done $0x0  }
0xe0: {  	s21 =	rddreg [dreg:$0xe];
	[sflag:s18] =	ssyncadd.s32 $0xFFFFF000  }
0xe1: {  	[spmem:s21] =	stream.linear.scatter [tilespmem:s16], [sflag:$0x2], $0x1000, $0x38;
	[tilespmem:$0x1B240] =	vst v63  }
0xe2: {  	_ =	swait.ge [sflag:s18], $0x1000  }
0xe3: {  	[sflag:s18] =	ssyncset.done $0x0  }
0xe4: {  	s23 =	rddreg [dreg:$0x10];
	[sflag:s18] =	ssyncadd.s32 $0xFFFFF000  }
0xe5: {  	[spmem:s23] =	stream.linear.scatter [tilespmem:s16], [sflag:$0x2], $0x1000, $0x38;
	[tilespmem:$0x1B240] =	vst v63  }
0xe6: {  	_ =	swait.ge [sflag:s18], $0x1000  }
0xe7: {  	[sflag:s18] =	ssyncset.done $0x0  }
0xe8: {  	s24 =	rddreg [dreg:$0x14];
	[sflag:s18] =	ssyncadd.s32 $0xFFFFF000  }
0xe9: {  	[spmem:s24] =	stream.linear.scatter [tilespmem:s16], [sflag:$0x2], $0x1000, $0x38;
	[tilespmem:$0x1B240] =	vst v63  }
0xea: {  	_ =	swait.ge [sflag:s18], $0x1000  }
0xeb: {  	[sflag:s18] =	ssyncset.done $0x0  }
0xec: {  	s25 =	rddreg [dreg:$0x15];
	[sflag:s18] =	ssyncadd.s32 $0xFFFFF000  }
0xed: {  	[spmem:s25] =	stream.linear.scatter [tilespmem:s16], [sflag:$0x2], $0x1000, $0x38;
	[tilespmem:$0x1B240] =	vst v63  }
0xee: {  	_ =	swait.ge [sflag:s18], $0x1000  }
0xef: {  	[sflag:s18] =	ssyncset.done $0x0  }
0xf0: {  	s12 =	rddreg [dreg:$0x16];
	[sflag:s18] =	ssyncadd.s32 $0xFFFFF000  }
0xf1: {  	[spmem:s12] =	stream.linear.scatter [tilespmem:s16], [sflag:$0x2], $0x1000, $0x38;
	[tilespmem:$0x1B240] =	vst v63  }
0xf2: {  	_ =	swait.ge [sflag:s18], $0x1000  }
0xf3: {  	[sflag:s18] =	ssyncset.done $0x0  }
0xf4: {  	s13 =	rddreg [dreg:$0x17];
	[sflag:s18] =	ssyncadd.s32 $0xFFFFF000  }
0xf5: {  	[spmem:s13] =	stream.linear.scatter [tilespmem:s16], [sflag:$0x2], $0x1000, $0x38;
	[tilespmem:$0x1B240] =	vst v63  }
0xf6: {  	_ =	swait.ge [sflag:s18], $0x1000  }
0xf7: {  	[sflag:s18] =	ssyncset.done $0x0  }
0xf8: {  	s14 =	rddreg [dreg:$0x18];
	[sflag:s18] =	ssyncadd.s32 $0xFFFFF000  }
0xf9: {  	[spmem:s14] =	stream.linear.scatter [tilespmem:s16], [sflag:$0x2], $0x1000, $0x38;
	[tilespmem:$0x1B240] =	vst v63  }
0xfa: {  	_ =	swait.ge [sflag:s18], $0x1000  }
0xfb: {  	[sflag:s18] =	ssyncset.done $0x0  }
0xfc: {  	s15 =	rddreg [dreg:$0x19];
	[sflag:s18] =	ssyncadd.s32 $0xFFFFF000  }
0xfd: {  	[spmem:s15] =	stream.linear.scatter [tilespmem:s16], [sflag:$0x2], $0x1000, $0x38;
	[tilespmem:$0x1B240] =	vst v63  }
0xfe: {  	_ =	swait.ge [sflag:s18], $0x1000  }
0xff: {  	[sflag:s18] =	ssyncset.done $0x0  }
0x100: {  	s17 =	rddreg [dreg:$0x1a];
	[sflag:s18] =	ssyncadd.s32 $0xFFFFF000  }
0x101: {  	[spmem:s17] =	stream.linear.scatter [tilespmem:s16], [sflag:$0x2], $0x1000, $0x38;
	[tilespmem:$0x1B240] =	vst v63  }
0x102: {  	_ =	swait.ge [sflag:s18], $0x1000  }
0x103: {  	[sflag:s18] =	ssyncset.done $0x0  }
0x104: {  	s19 =	rddreg [dreg:$0x1b];
	[sflag:s18] =	ssyncadd.s32 $0xFFFFF000  }
0x105: {  	[spmem:s19] =	stream.linear.scatter [tilespmem:s16], [sflag:$0x2], $0x1000, $0x38;
	[tilespmem:$0x1B240] =	vst v63  }
0x106: {  	_ =	swait.ge [sflag:s18], $0x1000  }
0x107: {  	[sflag:s18] =	ssyncset.done $0x0  }
0x108: {  	s21 =	rddreg [dreg:$0x1c];
	[sflag:s18] =	ssyncadd.s32 $0xFFFFF000  }
0x109: {  	[spmem:s21] =	stream.linear.scatter [tilespmem:s16], [sflag:$0x2], $0x1000, $0x38;
	[tilespmem:$0x1B240] =	vst v63  }
0x10a: {  	_ =	swait.ge [sflag:s18], $0x1000  }
0x10b: {  	[sflag:s18] =	ssyncset.done $0x0  }
0x10c: {  	s12 =	simm.s32 $0x4200;
	s23 =	rddreg [dreg:$0x11];
	[sflag:s18] =	ssyncadd.s32 $0xFFFFF000  }
0x10d: {  	[spmem:s23] =	stream.linear.scatter [tilespmem:s12], [sflag:$0x2], $0x1000, $0x38;
	[tilespmem:$0x1B240] =	vst v63  }
0x10e: {  	_ =	swait.ge [sflag:s18], $0x1000  }
0x10f: {  	[sflag:s18] =	ssyncset.done $0x0  }
0x110: {  	s24 =	rddreg [dreg:$0x1d];
	[sflag:s18] =	ssyncadd.s32 $0xFFFFF000  }
0x111: {  	[spmem:s24] =	stream.linear.scatter [tilespmem:s12], [sflag:$0x2], $0x1000, $0x38;
	[tilespmem:$0x1B240] =	vst v63  }
0x112: {  	_ =	swait.ge [sflag:s18], $0x1000  }
0x113: {  	[sflag:s18] =	ssyncset.done $0x0  }
0x114: {  	s25 =	rddreg [dreg:$0x1e];
	[sflag:s18] =	ssyncadd.s32 $0xFFFFF000  }
0x115: {  	[spmem:s25] =	stream.linear.scatter [tilespmem:s12], [sflag:$0x2], $0x800, $0x38;
	[tilespmem:$0x1B240] =	vst v63  }
0x116: {  	_ =	swait.ge [sflag:s18], $0x800  }
0x117: {  	[sflag:s18] =	ssyncset.done $0x0  }
0x118: {  	[sflag:s18] =	ssyncadd.s32 $0xFFFFF800  }
.LBB2_6:
0x119: {  	s12 =	simm.s32 $0x0;
	s7 =	rddreg [dreg:$0x5];
	s13 =	simm.s32 $0x5200  }
0x11a: {  	[tilespmem:s13], [sflag:$0x2] =	stream.linear.gather [hbm4b:s7+s12], $0x80, $0x38;
	[tilespmem:$0x1B240] =	vst v63  }
.Ltmp5:
0x11b: {  	_ =	swait.ge [sflag:s18], $0x80;
	(pc) =	sbr.rel .LBB2_7-.Ltmp5, $3  }
0x11c: {  	[sflag:s18] =	ssyncset.done $0x0  }
0x11d: {  	[sflag:s18] =	ssyncadd.s32 $0xFFFFFF80  }
0x11e: {  	[bflag:$0x0] =	sbarrier.arrive $0xFFFF;
	_ =	sdelay $0x1  }
.LBB2_13:
0x11f: {  	s12 =	sadd.s32 $0x1, s12  }
0x120: {  	p1 =	sne.s32 s12, $0x139  }
.Ltmp6:
0x121: {  	_ = 	snop;
	(pc) =	sbr.rel @!p1 .LBB2_14-.Ltmp6, $1  }
0x122: {  	_ =	sdelay $0x3  }
.LBB2_7:
0x123: {  	s7 =	sshll.u32 s12, $0x5  }
0x124: {  	s7 =	sor.u32 s10, s7  }
0x125: {  	p1 =	sgt.u32 s7, $0x270F  }
.Ltmp7:
0x126: {  	_ = 	snop;
	(pc) =	sbr.rel @p1 .LBB2_13-.Ltmp7, $1  }
0x127: {  	_ =	sdelay $0x3  }
0x128: {  	s7 =	sor.u32 s2, s7  }
0x129: {  	s14 =	sshll.u32 s7, $0x2  }
0x12a: {  	s13 =	simm.s32 $0x0;
	s15 =	sadd.s32 s8, s14  }
0x12b: {  	[tilespmem:s13], [sflag:$0x2] =	stream.linear.gather [hbm4b:s15+s13], $0x20, $0x38;
	[tilespmem:$0x1B240] =	vst v63  }
0x12c: {  	_ =	swait.ge [sflag:s18], $0x20  }
0x12d: {  	[sflag:s18] =	ssyncset.done $0x0  }
0x12e: {  	s14 =	sadd.s32 s9, s14;
	[sflag:s18] =	ssyncadd.s32 $0xFFFFFFE0  }
0x12f: {  	[tilespmem:s22], [sflag:$0x2] =	stream.linear.gather [hbm4b:s14+s13], $0x20, $0x38;
	[tilespmem:$0x1B240] =	vst v63  }
0x130: {  	_ =	swait.ge [sflag:s18], $0x20  }
0x131: {  	s7 =	sshll.u32 s7, $0x9;
	[sflag:s18] =	ssyncset.done $0x0  }
0x132: {  	s21 =	simm.s32 $0x2200;
	s7 =	sadd.s32 s6, s7;
	[sflag:s18] =	ssyncadd.s32 $0xFFFFFFE0  }
0x133: {  	[tilespmem:s21], [sflag:$0x2] =	stream.linear.gather [hbm4b:s7+s13], $0x1000, $0x38;
	[tilespmem:$0x1B240] =	vst v63  }
0x134: {  	_ =	swait.ge [sflag:s18], $0x1000  }
0x135: {  	[sflag:s18] =	ssyncset.done $0x0  }
0x136: {  	[sflag:s18] =	ssyncadd.s32 $0xFFFFF000  }
0x137: {  	v12 =	vld [tilespmem:$0x0];
	_ =	sdelay $0x4  }
0x138: {  	v13 =	vshll.u32 v12, $0x1  }
0x139: {  	v12 =	vand.u32 $0x7, v12;
	v13 =	vand.u32 $0xFFFFFFF0, v13  }
0x13a: {  	v12 =	vor.u32 v12, v13  }
0x13b: {  	v13 =	vperm.xlane v12, v1;
	_ =	sdelay $0x1  }
0x13c: {  	v12 =	vperm.xlane v12, v3;
	v13 =	vadd.s32 v2, v13;
	_ =	sdelay $0x1  }
0x13d: {  	v12 =	vadd.s32 v2, v12;
	_ =	sdelay $0x2  }
0x13e: {  	[tilespmem:s26], [sflag:$0x1] =	stream.indirect_vreg.gather [hbm4b:s5+s13], $0x80, v13, vm0, $0xb8;
	[tilespmem:$0x1B240] =	vst v63  }
0x13f: {  	_ = 	snop  }
0x140: {  	[tilespmem:s28], [sflag:$0x1] =	stream.indirect_vreg.gather [hbm4b:s5+s13], $0x80, v12, vm0, $0xb8;
	[tilespmem:$0x1B240] =	vst v63  }
0x141: {  	v12 =	vld [tilespmem:$0x10];
	_ =	sdelay $0x4  }
0x142: {  	v13 =	vshll.u32 v12, $0x1  }
0x143: {  	v12 =	vand.u32 $0x7, v12;
	v13 =	vand.u32 $0xFFFFFFF0, v13  }
0x144: {  	v12 =	vor.u32 v12, v13  }
0x145: {  	v13 =	vperm.xlane v12, v1;
	_ =	sdelay $0x1  }
0x146: {  	v12 =	vperm.xlane v12, v3;
	v13 =	vadd.s32 v2, v13;
	_ =	sdelay $0x1  }
0x147: {  	v12 =	vadd.s32 v2, v12;
	_ =	sdelay $0x2  }
0x148: {  	[tilespmem:s20], [sflag:$0x1] =	stream.indirect_vreg.gather [hbm4b:s5+s13], $0x80, v13, vm0, $0xb8;
	[tilespmem:$0x1B240] =	vst v63  }
0x149: {  	_ = 	snop  }
0x14a: {  	[tilespmem:s29], [sflag:$0x1] =	stream.indirect_vreg.gather [hbm4b:s5+s13], $0x80, v12, vm0, $0xb8;
	[tilespmem:$0x1B240] =	vst v63  }
0x14b: {  	_ =	swait.ge [sflag:s30], $0x2000  }
0x14c: {  	[sflag:s30] =	ssyncset.done $0x0  }
0x14d: {  	[sflag:s30] =	ssyncadd.s32 $0xFFFFE000  }
0x14e: {  	v12 =	vld [tilespmem:$0x80];
	_ =	sdelay $0x1  }
0x14f: {  	v13 =	vld [tilespmem:$0x90];
	_ =	sdelay $0x2  }
0x150: {  	v14 =	vshrl.u32 v12, $0x3;
	v12 =	vshll.u32 v12, $0x4  }
0x151: {  	[tilespmem:$0x100] =	vst v14;
	v12 =	vand.u32 $0x70, v12  }
0x152: {  	[tilespmem:$0x180] =	vst v12;
	v12 =	vshrl.u32 v13, $0x3;
	v13 =	vshll.u32 v13, $0x4  }
0x153: {  	[tilespmem:$0x110] =	vst v12;
	v12 =	vand.u32 $0x70, v13  }
0x154: {  	s15 =	simm.s32 $0x180;
	[tilespmem:$0x190] =	vst v12  }
0x155: {  	s23 =	sand.u32 $0x1800, s13;
	s17 =	sand.u32 $0x380, s13;
	v12 =	vld [tilespmem:s15+$0x0]  }
0x156: {  	s17 =	sor.u32 s17, s23;
	v13 =	vld [tilespmem:s21+$0x0]  }
0x157: {  	v14 =	vld [tilespmem:s17+$0x600];
	_ =	sdelay $0x2  }
0x158: {  	(v2sf) =	vpush v12, $0x0;
	_ =	sdelay $0x1  }
0x159: {  	v12 =	vld [tilespmem:$0x5200];
	v13 =	vadd.f32 v13, v14;
	_ =	sdelay $0x1  }
0x15a: {  	v14 =	vmul.f32 $9.999999770e-03, v13;
	_ =	sdelay $0x1  }
0x15b: {  	v13 =	vmax.f32 v13, v14  }
0x15c: {  	v13 =	vsub.f32 v13, v12;
	_ =	sdelay $0x1  }
0x15d: {  	v13 =	vmul.f32 $1.442695020e+00, v13;
	_ =	sdelay $0x1  }
0x15e: {  	(erf) = vpow2.f32 v13;
	_ =	sdelay $0x3  }
0x15f: {  	s24 =	spop (v2sf)  }
0x160: {  	s25 =	sand.u32 $0x7F, s24;
	s7 =	sshll.u32 s24, $0x2  }
0x161: {  	s7 =	sand.u32 $0xFFFFFE00, s7;
	s14 =	sshll.u32 s25, $0x2  }
0x162: {  	s7 =	sor.u32 s14, s7  }
0x163: {  	s7 =	sshra.s32 s7, $0x2  }
0x164: {  	v13 =	vpop (erf);
	s7 =	sadd.s32 $0x4200, s7  }
0x165: {  	[tilespmem:s7+$0x0] =	vst v13  }
0x166: {  	v14 =	vld [tilespmem:s17+$0x200];
	_ =	sdelay $0x2  }
0x167: {  	v15 =	vperm.xlane v13, v4;
	_ =	sdelay $0x1  }
0x168: {  	v14 =	vmul.f32 v14, v15  }
0x169: {  	s7 =	simm.s32 $0x3240  }
0x16a: {  	[tilespmem:s7+$0xFFFFFFC0] =	vst v14  }
0x16b: {  	v14 =	vld [tilespmem:s17+$0x210];
	_ =	sdelay $0x2  }
0x16c: {  	v15 =	vperm.xlane v13, v5;
	_ =	sdelay $0x1  }
0x16d: {  	v14 =	vmul.f32 v14, v15;
	_ =	sdelay $0x1  }
0x16e: {  	[tilespmem:s7+$0xFFFFFFD0] =	vst v14  }
0x16f: {  	v14 =	vld [tilespmem:s17+$0x220];
	_ =	sdelay $0x2  }
0x170: {  	v15 =	vperm.xlane v13, v6;
	_ =	sdelay $0x1  }
0x171: {  	v14 =	vmul.f32 v14, v15;
	_ =	sdelay $0x1  }
0x172: {  	[tilespmem:s7+$0xFFFFFFE0] =	vst v14  }
0x173: {  	v14 =	vld [tilespmem:s17+$0x230];
	_ =	sdelay $0x2  }
0x174: {  	v15 =	vperm.xlane v13, v7;
	_ =	sdelay $0x1  }
0x175: {  	v14 =	vmul.f32 v14, v15;
	_ =	sdelay $0x1  }
0x176: {  	[tilespmem:s7+$0xFFFFFFF0] =	vst v14  }
0x177: {  	v14 =	vld [tilespmem:s17+$0x240];
	_ =	sdelay $0x2  }
0x178: {  	v15 =	vperm.xlane v13, v8;
	_ =	sdelay $0x1  }
0x179: {  	v14 =	vmul.f32 v14, v15;
	_ =	sdelay $0x1  }
0x17a: {  	[tilespmem:s7+$0x0] =	vst v14  }
0x17b: {  	v14 =	vld [tilespmem:s17+$0x250];
	_ =	sdelay $0x2  }
0x17c: {  	v15 =	vperm.xlane v13, v9;
	_ =	sdelay $0x1  }
0x17d: {  	v14 =	vmul.f32 v14, v15;
	_ =	sdelay $0x1  }
0x17e: {  	[tilespmem:s7+$0x10] =	vst v14  }
0x17f: {  	v14 =	vld [tilespmem:s17+$0x260];
	_ =	sdelay $0x2  }
0x180: {  	v15 =	vperm.xlane v13, v10;
	_ =	sdelay $0x1  }
0x181: {  	v14 =	vmul.f32 v14, v15;
	_ =	sdelay $0x1  }
0x182: {  	[tilespmem:s7+$0x20] =	vst v14  }
0x183: {  	v14 =	vld [tilespmem:s17+$0x270];
	_ =	sdelay $0x2  }
0x184: {  	v13 =	vperm.xlane v13, v11;
	_ =	sdelay $0x1  }
0x185: {  	s19 =	simm.s32 $0x100;
	v13 =	vmul.f32 v14, v13  }
0x186: {  	s23 =	simm.s32 $0x32C0;
	s25 =	simm.s32 $0x4200;
	s17 =	simm.s32 $0x2280  }
.LBB2_9:
0x187: {  	[tilespmem:s7+$0x30] =	vst v13;
	s15 =	sadd.s32 $0x1, s15;
	s13 =	sadd.s32 $0x80, s13;
	s25 =	sadd.s32 $0x80, s25  }
0x188: {  	s7 =	sand.u32 $0x1800, s19;
	p1 =	sne.s32 s19, $0x1F00;
	s14 =	sand.u32 $0x380, s13;
	v13 =	vld [tilespmem:s15+$0x0]  }
0x189: {  	s19 =	sadd.s32 $0x100, s19;
	s14 =	sor.u32 s14, s7;
	v14 =	vld [tilespmem:s17+$0x0];
	s7 =	smov.u32 s23  }
0x18a: {  	v15 =	vld [tilespmem:s14+$0x600];
	_ =	sdelay $0x2  }
0x18b: {  	(v2sf) =	vpush v13, $0x0;
	_ =	sdelay $0x1  }
0x18c: {  	v13 =	vadd.f32 v14, v15;
	_ =	sdelay $0x1  }
0x18d: {  	v14 =	vmul.f32 $9.999999770e-03, v13;
	_ =	sdelay $0x1  }
0x18e: {  	v13 =	vmax.f32 v13, v14  }
0x18f: {  	v13 =	vsub.f32 v13, v12;
	_ =	sdelay $0x1  }
0x190: {  	v13 =	vmul.f32 $1.442695020e+00, v13;
	_ =	sdelay $0x1  }
0x191: {  	(erf) = vpow2.f32 v13;
	_ =	sdelay $0x3  }
0x192: {  	s21 =	spop (v2sf)  }
0x193: {  	s24 =	sand.u32 $0x7F, s21;
	s21 =	sshll.u32 s21, $0x2  }
0x194: {  	s21 =	sand.u32 $0xFFFFFE00, s21;
	s24 =	sshll.u32 s24, $0x2  }
0x195: {  	s21 =	sor.u32 s24, s21  }
0x196: {  	s21 =	sshra.s32 s21, $0x2  }
0x197: {  	s21 =	sadd.s32 s21, s25;
	v13 =	vpop (erf)  }
0x198: {  	[tilespmem:s21+$0x0] =	vst v13  }
0x199: {  	v14 =	vld [tilespmem:s14+$0x200];
	_ =	sdelay $0x2  }
0x19a: {  	v15 =	vperm.xlane v13, v4;
	_ =	sdelay $0x1  }
0x19b: {  	v14 =	vmul.f32 v14, v15;
	_ =	sdelay $0x1  }
0x19c: {  	[tilespmem:s23+$0xFFFFFFC0] =	vst v14  }
0x19d: {  	v14 =	vld [tilespmem:s14+$0x210];
	_ =	sdelay $0x2  }
0x19e: {  	v15 =	vperm.xlane v13, v5;
	_ =	sdelay $0x1  }
0x19f: {  	v14 =	vmul.f32 v14, v15;
	_ =	sdelay $0x1  }
0x1a0: {  	[tilespmem:s23+$0xFFFFFFD0] =	vst v14  }
0x1a1: {  	v14 =	vld [tilespmem:s14+$0x220];
	_ =	sdelay $0x2  }
0x1a2: {  	v15 =	vperm.xlane v13, v6;
	_ =	sdelay $0x1  }
0x1a3: {  	v14 =	vmul.f32 v14, v15;
	_ =	sdelay $0x1  }
0x1a4: {  	[tilespmem:s23+$0xFFFFFFE0] =	vst v14  }
0x1a5: {  	v14 =	vld [tilespmem:s14+$0x230];
	_ =	sdelay $0x2  }
0x1a6: {  	v15 =	vperm.xlane v13, v7;
	_ =	sdelay $0x1  }
0x1a7: {  	v14 =	vmul.f32 v14, v15;
	_ =	sdelay $0x1  }
0x1a8: {  	[tilespmem:s23+$0xFFFFFFF0] =	vst v14  }
0x1a9: {  	v14 =	vld [tilespmem:s14+$0x240];
	_ =	sdelay $0x2  }
0x1aa: {  	v15 =	vperm.xlane v13, v8;
	_ =	sdelay $0x1  }
0x1ab: {  	v14 =	vmul.f32 v14, v15;
	_ =	sdelay $0x1  }
0x1ac: {  	[tilespmem:s23+$0x0] =	vst v14  }
0x1ad: {  	v14 =	vld [tilespmem:s14+$0x250];
	_ =	sdelay $0x2  }
0x1ae: {  	v15 =	vperm.xlane v13, v9;
	_ =	sdelay $0x1  }
0x1af: {  	v14 =	vmul.f32 v14, v15;
	_ =	sdelay $0x1  }
0x1b0: {  	[tilespmem:s23+$0x10] =	vst v14  }
0x1b1: {  	v14 =	vld [tilespmem:s14+$0x260];
	_ =	sdelay $0x2  }
0x1b2: {  	v15 =	vperm.xlane v13, v10;
	_ =	sdelay $0x1  }
0x1b3: {  	v14 =	vmul.f32 v14, v15;
	_ =	sdelay $0x1  }
0x1b4: {  	[tilespmem:s23+$0x20] =	vst v14  }
0x1b5: {  	v14 =	vld [tilespmem:s14+$0x270];
	_ =	sdelay $0x1  }
.Ltmp8:
0x1b6: {  	(pc) =	sbr.rel @p1 .LBB2_9-.Ltmp8, $3  }
0x1b7: {  	v13 =	vperm.xlane v13, v11;
	_ =	sdelay $0x1  }
0x1b8: {  	v13 =	vmul.f32 v14, v13  }
0x1b9: {  	s17 =	sadd.s32 $0x80, s17;
	s23 =	sadd.s32 $0x80, s23  }
0x1ba: {  	[tilespmem:s7+$0x30] =	vst v13  }
0x1bb: {  	[spmem:s1] =	stream.indirect.scatter.add.f32 [tilespmem:s16], [sflag:$0x2], $0x80, s22, s31, $0xb8;
	[tilespmem:$0x1B240] =	vst v63  }
0x1bc: {  	_ =	swait.ge [sflag:s18], $0x1000  }
0x1bd: {  	[sflag:s18] =	ssyncset.done $0x0  }
0x1be: {  	s7 =	simm.s32 $0x4200;
	[sflag:s18] =	ssyncadd.s32 $0xFFFFF000  }
0x1bf: {  	[spmem:s3] =	stream.indirect.scatter.add.f32 [tilespmem:s7], [sflag:$0x2], $0x80, s0, s31, $0xb8;
	[tilespmem:$0x1B240] =	vst v63  }
0x1c0: {  	_ =	swait.ge [sflag:s18], $0x1000  }
0x1c1: {  	[sflag:s18] =	ssyncset.done $0x0  }
0x1c2: {  	s13 =	simm.s32 $0x0;
	[sflag:s18] =	ssyncadd.s32 $0xFFFFF000  }
0x1c3: {  	v12 =	vld [tilespmem:s13+$0x180];
	_ =	sdelay $0x4  }
0x1c4: {  	(v2sf) =	vpush v12, $0x0;
	_ =	sdelay $0xe  }
0x1c5: {  	s25 =	spop (v2sf)  }
0x1c6: {  	s14 =	sand.u32 $0x7F, s25;
	s13 =	sshll.u32 s25, $0x2  }
0x1c7: {  	s13 =	sand.u32 $0xFFFFFE00, s13;
	s14 =	sshll.u32 s14, $0x2  }
0x1c8: {  	s13 =	sor.u32 s14, s13  }
0x1c9: {  	s13 =	sshra.s32 s13, $0x2  }
0x1ca: {  	s15 =	sadd.s32 $0x4200, s13  }
0x1cb: {  	s14 =	simm.s32 $0x1;
	s13 =	simm.s32 $0x8;
	[tilespmem:s15+$0x0] =	vst v0  }
.LBB2_11:
0x1cc: {  	p1 =	sne.s32 s13, $0x7C;
	v12 =	vld [tilespmem:s14+$0x180];
	_ =	sdelay $0x4  }
0x1cd: {  	(v2sf) =	vpush v12, $0x0;
	_ =	sdelay $0xe  }
0x1ce: {  	s14 =	spop (v2sf)  }
0x1cf: {  	s15 =	sand.u32 $0x7F, s14;
	s14 =	sshll.u32 s14, $0x2  }
.Ltmp9:
0x1d0: {  	s14 =	sand.u32 $0xFFFFFE00, s14;
	s15 =	sshll.u32 s15, $0x2;
	(pc) =	sbr.rel @p1 .LBB2_11-.Ltmp9, $4  }
0x1d1: {  	s14 =	sor.u32 s15, s14  }
0x1d2: {  	s7 =	sadd.s32 $0x80, s7;
	s14 =	sshra.s32 s14, $0x2  }
0x1d3: {  	s15 =	sadd.s32 s14, s7  }
0x1d4: {  	s14 =	sshra.s32 s13, $0x2;
	s13 =	sadd.s32 $0x4, s13;
	[tilespmem:s15+$0x0] =	vst v0  }
0x1d5: {  	v12 =	vld [tilespmem:s14+$0x180];
	_ =	sdelay $0x4  }
0x1d6: {  	(v2sf) =	vpush v12, $0x0;
	_ =	sdelay $0xe  }
0x1d7: {  	s13 =	spop (v2sf)  }
0x1d8: {  	s25 =	sand.u32 $0x7F, s13;
	s13 =	sshll.u32 s13, $0x2  }
.Ltmp10:
0x1d9: {  	s13 =	sand.u32 $0xFFFFFE00, s13;
	s14 =	sshll.u32 s25, $0x2;
	(pc) =	sbr.rel .LBB2_13-.Ltmp10, $4  }
0x1da: {  	s13 =	sor.u32 s14, s13  }
0x1db: {  	s7 =	sadd.s32 $0x80, s7;
	s13 =	sshra.s32 s13, $0x2  }
0x1dc: {  	s7 =	sadd.s32 s13, s7  }
0x1dd: {  	[tilespmem:s7+$0x0] =	vst v0  }
.LBB2_15:
0x1de: {  	_ =	sfence.sel $0x180000  }
0x1df: {  	[bflag:$0x0] =	sbarrier.arrive $0xFFFF  }
0x1e0: {  	_ =	strace $0x90000047  }
0x1e1: {  	[bflag:$0x2] =	sbarrier.arrive $0xFFFF  }
0x1e2: {  	p0 =	sne.s32 s2, $0x0;
	s0 =	rddreg [dreg:$0x4]  }
0x1e3: {  	s0 =	sadd.s32 @!p0 $0x100000, s0  }
0x1e4: {  	[sflag:s0] =	ssyncadd.tile.s32 @!p0 $0x1;
	_ =	shalt  }
.Lfunc_end2:
_tile_overlayer_lowered:
.L_overlay_start_2:
0x1e5: {  	(tag) =	ssettag $0x2  }
0x1e6: {  	s0 =	rddreg [dreg:$0x0];
	s2 =	stileid.u32  }
0x1e7: {  	s1 =	rddreg [dreg:$0x1];
	p0 =	sne.s32 s2, $0x0  }
0x1e8: {  	s3 =	rddreg [dreg:$0x2];
	[bflag:$0x3] =	sbarrier.arrive $0xFFFF;
	s2 =	simm.s32 @!p0 $0x1C02  }
0x1e9: {  	[timem:s3], [sflag:s2] =	dma.local @!p0 [hbm:s0], s1  }
0x1ea: {  	s0 =	simm.s32 @!p0 $0x2  }
0x1eb: {  	_ =	swait.ge @!p0 [sflag:s0], s1  }
0x1ec: {  	s1 =	ssub.s32 @!p0 $0x0, s1;
	[sflag:s0] =	ssyncset.done @!p0 $0x0  }
0x1ed: {  	[sflag:s0] =	ssyncadd.s32 @!p0 s1  }
0x1ee: {  	[bflag:$0x3] =	sbarrier.arrive $0xFFFF  }
0x1ef: {  	_ =	shalt  }

</sc_bundles>
